<compile_context>
chip_gen: v7x
topology: tpu7x:2x2x1
jax: 0.10.2.dev20260603
libtpu: 0.0.44.dev20260713+nightly
codegen_flags: <defaults>
</compile_context>

<pallas_src>
import functools

import jax
import jax.numpy as jnp
from jax import lax
from jax.experimental import pallas as pl
from jax.experimental.pallas import tpu as pltpu
from jax.experimental.pallas import tpu_sc as plsc

_N = 10000
_E = 320000
_D = 128
_BN_EPS = 1e-5

_NPAD = 10240
_NP3 = 3 * _NPAD
_NP4 = 4 * _NPAD

_NC = 2
_NS = 16

_DEG_ROWS = 7680
_DEG_RPT = 240
_DEG_CKR = 24
_DEG_NCH = 10

_PROP_ROWS = 12800
_PROP_RPT = 800
_PROP_CKR = 40
_PROP_NCH = 20
_DH = _D // _NC

_SLICE3 = _NP3 // _NS
_NOUT = _NPAD
_ROWS_OUT = _NOUT // _NS


def _deg_body(idx_hbm, w_hbm, out_hbm, idxbuf, wbuf, stage, sdeg):
    c = lax.axis_index("c")
    s = lax.axis_index("s")

    def zfill(i, _):
        stage[pl.ds(i * 16, 16)] = jnp.zeros((16,), jnp.float32)
        return 0

    lax.fori_loop(0, _SLICE3 // 16, zfill, 0)
    pltpu.sync_copy(stage, sdeg.at[pl.ds(s * _SLICE3, _SLICE3)])
    plsc.subcore_barrier()

    base = (c * _NS + s) * _DEG_RPT

    def chunk(ch, _):
        rb = base + ch * _DEG_CKR
        pltpu.sync_copy(idx_hbm.at[pl.ds(rb, _DEG_CKR)], idxbuf)
        pltpu.sync_copy(w_hbm.at[pl.ds(rb, _DEG_CKR)], wbuf)

        def row(r, _):
            pltpu.sync_copy(wbuf.at[r], sdeg.at[idxbuf.at[r]], add=True)
            return 0

        lax.fori_loop(0, _DEG_CKR, row, 0)
        return 0

    lax.fori_loop(0, _DEG_NCH, chunk, 0)
    plsc.subcore_barrier()
    pltpu.sync_copy(sdeg.at[pl.ds(s * _SLICE3, _SLICE3)],
                    out_hbm.at[c, pl.ds(s * _SLICE3, _SLICE3)])


def _prop_body(f3, d4h, rowfh, colh, grh, gch, wh, pout,
               d4buf, rfbuf, clbuf, grbuf, gcbuf, wbuf, rows_v, sout):
    c = lax.axis_index("c")
    s = lax.axis_index("s")

    def zfill(i, _):
        rows_v[i // 4, pl.ds((i % 4) * 16, 16)] = jnp.zeros((16,), jnp.float32)
        return 0

    lax.fori_loop(0, 128 * 4, zfill, 0)

    def zcopy(k, _):
        pltpu.sync_copy(rows_v,
                        sout.at[pl.ds(s * _ROWS_OUT + k * 128, 128)])
        return 0

    lax.fori_loop(0, 5, zcopy, 0)
    pltpu.sync_copy(d4h, d4buf)
    plsc.subcore_barrier()

    base = s * _PROP_RPT

    def chunk(ch, _):
        rb = base + ch * _PROP_CKR
        pltpu.sync_copy(rowfh.at[pl.ds(rb, _PROP_CKR)], rfbuf)
        pltpu.sync_copy(colh.at[pl.ds(rb, _PROP_CKR)], clbuf)
        pltpu.sync_copy(grh.at[pl.ds(rb, _PROP_CKR)], grbuf)
        pltpu.sync_copy(gch.at[pl.ds(rb, _PROP_CKR)], gcbuf)
        pltpu.sync_copy(wh.at[pl.ds(rb, _PROP_CKR)], wbuf)

        def nrm(i, _):
            r = i // 8
            g = (i % 8) * 16
            a = plsc.load_gather(d4buf, [grbuf[r, pl.ds(g, 16)]])
            b = plsc.load_gather(d4buf, [gcbuf[r, pl.ds(g, 16)]])
            wbuf[r, pl.ds(g, 16)] = a * wbuf[r, pl.ds(g, 16)] * b
            return 0

        lax.fori_loop(0, _PROP_CKR * 8, nrm, 0)

        def row(r, _):
            pltpu.sync_copy(f3.at[c].at[rfbuf.at[r]], rows_v)

            def grp(g, _):
                w16 = wbuf[r, pl.ds(g * 16, 16)]
                for j in range(16):
                    bc = jnp.take_along_axis(
                        w16, jnp.full((16,), j, jnp.int32), axis=0,
                        mode="promise_in_bounds")
                    e = g * 16 + j
                    for k in range(4):
                        rows_v[e, pl.ds(k * 16, 16)] = (
                            rows_v[e, pl.ds(k * 16, 16)] * bc)
                return 0

            lax.fori_loop(0, 8, grp, 0)
            pltpu.sync_copy(rows_v, sout.at[clbuf.at[r]], add=True)
            return 0

        lax.fori_loop(0, _PROP_CKR, row, 0)
        return 0

    lax.fori_loop(0, _PROP_NCH, chunk, 0)
    plsc.subcore_barrier()

    def cpout(k, _):
        pltpu.sync_copy(sout.at[pl.ds(s * _ROWS_OUT + k * 128, 128)],
                        pout.at[c, pl.ds(s * _ROWS_OUT + k * 128, 128)])
        return 0

    lax.fori_loop(0, 5, cpout, 0)


def _dis_body(deg_ref, out_ref):
    dsum = deg_ref[0:240, :] + deg_ref[240:480, :]
    dis = jnp.where(dsum > 0.0, lax.rsqrt(jnp.where(dsum > 0.0, dsum, 1.0)),
                    0.0)
    out_ref[...] = jnp.concatenate(
        [dis, jnp.ones((80, _D), jnp.float32)], axis=0)


def _fmm_body(x_ref, w_ref, out_ref):
    out_ref[0] = jnp.dot(x_ref[...], w_ref[0],
                         preferred_element_type=jnp.float32)


def _final_body(x_ref, p_ref, lnw_ref, convw_ref, bsum_ref, convb_ref,
                gam_ref, bet_ref, out_ref):
    s = gam_ref[...] * (1.0 / (1.0 + _BN_EPS) ** 0.5)
    wp = convw_ref[...] * s
    h = (jnp.dot(x_ref[...], lnw_ref[...], preferred_element_type=jnp.float32)
         + p_ref[...] + bsum_ref[...])
    out_ref[...] = (jnp.dot(h, wp, preferred_element_type=jnp.float32)
                    + convb_ref[...] * s + bet_ref[...])


def kernel(x, edge_index, edge_in, in_w, edge_out, out_w, edge_index2,
           edge_weight, edge_weight2, lin1_w, ln_w, ln_b, conv1_w, conv1_b,
           conv2_w, conv2_b, conv_w, conv_b, bn_gamma, bn_beta):
    i32 = jnp.int32
    f32 = jnp.float32

    ones_e = jnp.ones((_E,), f32)
    rows = jnp.concatenate([edge_index[0], edge_in[0], edge_out[0],
                            edge_index[0], edge_index2[0]])
    cols = jnp.concatenate([edge_index[1], edge_in[1], edge_out[1],
                            edge_index[1], edge_index2[1]])
    wall = jnp.concatenate([ones_e, in_w, out_w, edge_weight, edge_weight2])
    plane = jnp.repeat(jnp.array([0, 1, 2, 3, 3], i32), _E)
    foff = jnp.repeat(jnp.array([0, 0, 0, _N, 2 * _N], i32), _E)
    rowf = rows + foff
    gr = rows + plane * _NPAD
    gc = cols + plane * _NPAD

    npad_e = _PROP_ROWS * _D - 5 * _E
    ar = jnp.arange(npad_e, dtype=i32)
    rowf = jnp.concatenate([rowf, ar % (3 * _N)]).reshape(_PROP_ROWS, _D)
    colp = jnp.concatenate([cols, ar % _N]).reshape(_PROP_ROWS, _D)
    grp = jnp.concatenate([gr, ar % _NP4]).reshape(_PROP_ROWS, _D)
    gcp = jnp.concatenate([gc, ar % _NP4]).reshape(_PROP_ROWS, _D)
    wp_ = jnp.concatenate([wall, jnp.zeros((npad_e,), f32)]
                          ).reshape(_PROP_ROWS, _D)

    degidx = rows[:3 * _E] + plane[:3 * _E] * _NPAD
    degw = wall[:3 * _E]
    npad_d = _DEG_ROWS * _D - 3 * _E
    ard = jnp.arange(npad_d, dtype=i32)
    degidx = jnp.concatenate([degidx, ard % _NP3]).reshape(_DEG_ROWS, _D)
    degw = jnp.concatenate([degw, jnp.zeros((npad_d,), f32)]
                           ).reshape(_DEG_ROWS, _D)

    deg_part = pl.kernel(
        _deg_body,
        out_type=jax.ShapeDtypeStruct((_NC, _NP3), f32),
        mesh=plsc.VectorSubcoreMesh(core_axis_name="c", subcore_axis_name="s",
                                    num_cores=_NC, num_subcores=_NS),
        compiler_params=pltpu.CompilerParams(needs_layout_passes=False),
        scratch_types=[
            pltpu.VMEM((_DEG_CKR, _D), i32),
            pltpu.VMEM((_DEG_CKR, _D), f32),
            pltpu.VMEM((_SLICE3,), f32),
            pltpu.VMEM_SHARED((_NP3,), f32),
        ],
    )(degidx, degw)

    d4 = pl.pallas_call(
        _dis_body,
        out_shape=jax.ShapeDtypeStruct((_NP4 // _D, _D), f32),
    )(deg_part.reshape(2 * _NP3 // _D, _D))
    d4 = d4.reshape(_NP4)

    wcat = jnp.stack([lin1_w, conv1_w, conv2_w])
    bm = 400
    f3 = pl.pallas_call(
        _fmm_body,
        grid=(3, _N // bm),
        in_specs=[
            pl.BlockSpec((bm, _D), lambda j, i: (i, 0)),
            pl.BlockSpec((1, _D, _D), lambda j, i: (j, 0, 0)),
        ],
        out_specs=pl.BlockSpec((1, bm, _D), lambda j, i: (j, i, 0)),
        out_shape=jax.ShapeDtypeStruct((3, _N, _D), f32),
    )(x, wcat)
    f3 = f3.reshape(3 * _N, _D)

    f3t = f3.reshape(3 * _N, _NC, _DH).transpose(1, 0, 2)
    pout = pl.kernel(
        _prop_body,
        out_type=jax.ShapeDtypeStruct((_NC, _NOUT, _DH), f32),
        mesh=plsc.VectorSubcoreMesh(core_axis_name="c", subcore_axis_name="s",
                                    num_cores=_NC, num_subcores=_NS),
        compiler_params=pltpu.CompilerParams(needs_layout_passes=False,
                                             use_tc_tiling_on_sc=False),
        scratch_types=[
            pltpu.VMEM((_NP4,), f32),
            pltpu.VMEM((_PROP_CKR, _D), i32),
            pltpu.VMEM((_PROP_CKR, _D), i32),
            pltpu.VMEM((_PROP_CKR, _D), i32),
            pltpu.VMEM((_PROP_CKR, _D), i32),
            pltpu.VMEM((_PROP_CKR, _D), f32),
            pltpu.VMEM((_D, _DH), f32),
            pltpu.VMEM_SHARED((_NOUT, _DH), f32),
        ],
    )(f3t, d4, rowf, colp, grp, gcp, wp_)
    ptot = jnp.concatenate([pout[0], pout[1]], axis=1)[:_N]

    bsum = (ln_b + conv1_b + conv2_b).reshape(1, _D)
    out = pl.pallas_call(
        _final_body,
        grid=(_N // bm,),
        in_specs=[
            pl.BlockSpec((bm, _D), lambda i: (i, 0)),
            pl.BlockSpec((bm, _D), lambda i: (i, 0)),
            pl.BlockSpec((_D, _D), lambda i: (0, 0)),
            pl.BlockSpec((_D, _D), lambda i: (0, 0)),
            pl.BlockSpec((1, _D), lambda i: (0, 0)),
            pl.BlockSpec((1, _D), lambda i: (0, 0)),
            pl.BlockSpec((1, _D), lambda i: (0, 0)),
            pl.BlockSpec((1, _D), lambda i: (0, 0)),
        ],
        out_specs=pl.BlockSpec((bm, _D), lambda i: (i, 0)),
        out_shape=jax.ShapeDtypeStruct((_N, _D), f32),
    )(x, ptot, ln_w, conv_w, bsum, conv_b.reshape(1, _D),
      bn_gamma.reshape(1, _D), bn_beta.reshape(1, _D))
    return out

# --- scband reference (transcript-rebuilt; emitter-appended) ---
"""Pipeline reference for scband-di-gcn-ib-1-bn-sym-46746424050294 (READ-ONLY COPY).

The authoritative reference and input builder live on the scoring server;
editing this copy changes nothing except your own understanding.
"""

import jax, jax.numpy as jnp
import numpy as np

N = 10000
E = 320000
D_IN = 128
NHID = 128
D_OUT = 128
BN_EPS = 1e-5


def _dgcn_conv(x, edge_index, edge_weight=None):
    # DGCNConv: GCN-style sym normalization with given edge weights, no learnable params
    n = x.shape[0]
    row = edge_index[0]
    col = edge_index[1]
    if edge_weight is None:
        edge_weight = jnp.ones((edge_index.shape[1],), x.dtype)
    deg = jnp.zeros((n,), x.dtype).at[row].add(edge_weight)
    deg_safe = jnp.where(deg > 0, deg, 1.0)
    dis = jnp.where(deg > 0, 1.0 / jnp.sqrt(deg_safe), 0.0)
    norm = dis[row] * edge_weight * dis[col]
    msg = norm[:, None] * jnp.take(x, row, axis=0)
    return jnp.zeros_like(x).at[col].add(msg)


def _digcn_conv(x, W, b, edge_index, edge_weight):
    # DIGCNConv: x @ W, propagate with pre-normalized edge weights, add bias
    h = x @ W
    row = edge_index[0]
    col = edge_index[1]
    msg = edge_weight[:, None] * jnp.take(h, row, axis=0)
    out = jnp.zeros_like(h).at[col].add(msg)
    return out + b


def setup_inputs(seed: int = 0):
    key = jax.random.key(seed)
    ks = jax.random.split(key, 24)
    inp = {}
    inp['x'] = jax.random.normal(ks[0], (N, D_IN), dtype=jnp.float32)
    inp['edge_index'] = jax.random.randint(ks[1], (2, E), 0, N, dtype=jnp.int32)
    inp['edge_in'] = jax.random.randint(ks[2], (2, E), 0, N, dtype=jnp.int32)
    inp['in_w'] = jax.random.uniform(ks[3], (E,), dtype=jnp.float32)
    inp['edge_out'] = jax.random.randint(ks[4], (2, E), 0, N, dtype=jnp.int32)
    inp['out_w'] = jax.random.uniform(ks[5], (E,), dtype=jnp.float32)
    inp['edge_index2'] = jax.random.randint(ks[6], (2, E), 0, N, dtype=jnp.int32)
    inp['edge_weight'] = jax.random.uniform(ks[7], (E,), dtype=jnp.float32)
    inp['edge_weight2'] = jax.random.uniform(ks[8], (E,), dtype=jnp.float32)
    # learned parameters
    inp['lin1_w'] = jax.random.normal(ks[9], (D_IN, NHID), dtype=jnp.float32) * 0.05  # lin1 (no bias)
    inp['ln_w'] = jax.random.normal(ks[10], (D_IN, NHID), dtype=jnp.float32) * 0.05   # ib1.ln
    inp['ln_b'] = jax.random.normal(ks[11], (NHID,), dtype=jnp.float32) * 0.05
    inp['conv1_w'] = jax.random.normal(ks[12], (D_IN, NHID), dtype=jnp.float32) * 0.05
    inp['conv1_b'] = jax.random.normal(ks[13], (NHID,), dtype=jnp.float32) * 0.05
    inp['conv2_w'] = jax.random.normal(ks[14], (D_IN, NHID), dtype=jnp.float32) * 0.05
    inp['conv2_b'] = jax.random.normal(ks[15], (NHID,), dtype=jnp.float32) * 0.05
    inp['conv_w'] = jax.random.normal(ks[16], (NHID, D_OUT), dtype=jnp.float32) * 0.05  # Conv1d k=1
    inp['conv_b'] = jax.random.normal(ks[17], (D_OUT,), dtype=jnp.float32) * 0.05
    inp['bn_gamma'] = jnp.ones((D_OUT,), dtype=jnp.float32)
    inp['bn_beta'] = jnp.zeros((D_OUT,), dtype=jnp.float32)
    return inp


def reference(x, edge_index, edge_in, in_w, edge_out, out_w, edge_index2, edge_weight, edge_weight2,
              lin1_w, ln_w, ln_b, conv1_w, conv1_b, conv2_w, conv2_b, conv_w, conv_b, bn_gamma, bn_beta):
    # symmetric branch
    symx = x @ lin1_w
    symx1 = _dgcn_conv(symx, edge_index)
    symx2 = _dgcn_conv(symx, edge_in, in_w)
    symx3 = _dgcn_conv(symx, edge_out, out_w)
    symx = symx1 + symx2 + symx3
    # InceptionBlock ib1 (edge_index_tuple = (edge_index, edge_index2), edge_weight_tuple = (edge_weight, edge_weight2))
    x0 = x @ ln_w + ln_b
    x1 = _digcn_conv(x, conv1_w, conv1_b, edge_index, edge_weight)
    x2 = _digcn_conv(x, conv2_w, conv2_b, edge_index2, edge_weight2)
    h = x0 + x1 + x2 + symx
    # 1x1 Conv1d over channel dim == dense layer per node
    h = h @ conv_w + conv_b
    # BatchNorm1d in eval mode (running_mean=0, running_var=1)
    h = h / jnp.sqrt(1.0 + BN_EPS) * bn_gamma + bn_beta
    # dropout is identity in eval mode
    return h


if False:  # reference __main__ guard neutralized (emitter)
    out = reference(**setup_inputs())
    print(out.shape, out.dtype)

if __name__ == "__main__":
    import jax
    _d = setup_inputs()
    print(jax.jit(kernel)(*tuple(_d.values())))

</pallas_src>

<mosaic_0001>
#map = affine_map<(d0, d1) -> (0, 0, 0)>
#map1 = affine_map<(d0, d1) -> (0)>
#map2 = affine_map<(d0, d1) -> (0, 0)>
module attributes {stable_mosaic.version = 14 : i64} {
  func.func @_prop_body(%arg0: i32, %arg1: i32, %arg2: memref<2x30000x64xf32, #tpu.memory_space<hbm>>, %arg3: memref<40960xf32, #tpu.memory_space<hbm>>, %arg4: memref<12800x128xi32, #tpu.memory_space<hbm>>, %arg5: memref<12800x128xi32, #tpu.memory_space<hbm>>, %arg6: memref<12800x128xi32, #tpu.memory_space<hbm>>, %arg7: memref<12800x128xi32, #tpu.memory_space<hbm>>, %arg8: memref<12800x128xf32, #tpu.memory_space<hbm>>, %arg9: memref<2x10240x64xf32, #tpu.memory_space<hbm>>, %arg10: memref<40960xf32, #tpu.memory_space<vmem>>, %arg11: memref<40x128xi32, #tpu.memory_space<vmem>>, %arg12: memref<40x128xi32, #tpu.memory_space<vmem>>, %arg13: memref<40x128xi32, #tpu.memory_space<vmem>>, %arg14: memref<40x128xi32, #tpu.memory_space<vmem>>, %arg15: memref<40x128xf32, #tpu.memory_space<vmem>>, %arg16: memref<128x64xf32, #tpu.memory_space<vmem>>, %arg17: memref<10240x64xf32, #tpu.memory_space<vmem_shared>>) attributes {dimension_semantics = [#tpu.dimension_semantics<core_parallel>, #tpu.dimension_semantics<subcore_parallel>], iteration_bounds = array<i64: 2, 16>, scalar_prefetch = 0 : i64, scratch_operands = 8 : i64, tpu.core_type = #tpu.core_type<sc_vector_subcore>, window_params = [{transform_indices = #map}, {transform_indices = #map1}, {transform_indices = #map2}, {transform_indices = #map2}, {transform_indices = #map2}, {transform_indices = #map2}, {transform_indices = #map2}, {transform_indices = #map}]} {
    %scan3A = arith.constant 0 : i32
    %scan3A_0 = arith.constant 0 : i32
    %scan3A_1 = arith.constant 512 : i32
    %scan3A_2 = arith.addi %scan3A_0, %scan3A_1 : i32
    %scan3A_3 = arith.constant 1 : i32
    %scan3A_4 = scf.for %scan3A_29 = %scan3A_0 to %scan3A_2 step %scan3A_3 iter_args(%scan3A_30 = %scan3A) -> (i32)  : i32 {
      %broadcast_in_dim3A = arith.constant 0.000000e+00 : f32
      %broadcast_in_dim3A_31 = vector.broadcast %broadcast_in_dim3A : f32 to vector<16xf32>
      %jit3A = arith.constant 4 : i32
      %div3A = arith.divsi %scan3A_29, %jit3A : i32
      %sign3A = arith.constant 0 : i32
      %sign3A_32 = arith.cmpi sgt, %scan3A_29, %sign3A : i32
      %sign3A_33 = arith.extui %sign3A_32 : i1 to i32
      %sign3A_34 = arith.constant 0 : i32
      %sign3A_35 = arith.cmpi slt, %scan3A_29, %sign3A_34 : i32
      %sign3A_36 = arith.extui %sign3A_35 : i1 to i32
      %sign3A_37 = arith.subi %sign3A_33, %sign3A_36 : i32
      %sign3A_38 = arith.constant 0 : i32
      %sign3A_39 = arith.cmpi sgt, %jit3A, %sign3A_38 : i32
      %sign3A_40 = arith.extui %sign3A_39 : i1 to i32
      %sign3A_41 = arith.constant 0 : i32
      %sign3A_42 = arith.cmpi slt, %jit3A, %sign3A_41 : i32
      %sign3A_43 = arith.extui %sign3A_42 : i1 to i32
      %sign3A_44 = arith.subi %sign3A_40, %sign3A_43 : i32
      %ne3A = arith.cmpi ne, %sign3A_37, %sign3A_44 : i32
      %rem3A = arith.remsi %scan3A_29, %jit3A : i32
      %ne3A_45 = arith.constant 0 : i32
      %ne3A_46 = arith.cmpi ne, %rem3A, %ne3A_45 : i32
      %and3A = arith.andi %ne3A, %ne3A_46 : i1
      %sub3A = arith.constant 1 : i32
      %sub3A_47 = arith.subi %div3A, %sub3A : i32
      %select_n3A = arith.select %and3A, %sub3A_47, %div3A : i32
      %jit3A_48 = arith.constant 4 : i32
      %eq3A = arith.constant 0 : i32
      %eq3A_49 = arith.cmpi eq, %jit3A_48, %eq3A : i32
      %jit3A_50 = arith.constant 1 : i32
      %select_n3A_51 = arith.select %eq3A_49, %jit3A_50, %jit3A_48 : i32
      %rem3A_52 = arith.remsi %scan3A_29, %select_n3A_51 : i32
      %ne3A_53 = arith.constant 0 : i32
      %ne3A_54 = arith.cmpi ne, %rem3A_52, %ne3A_53 : i32
      %lt3A = arith.constant 0 : i32
      %lt3A_55 = arith.cmpi slt, %rem3A_52, %lt3A : i32
      %lt3A_56 = arith.constant 0 : i32
      %lt3A_57 = arith.cmpi slt, %select_n3A_51, %lt3A_56 : i32
      %ne3A_58 = arith.xori %lt3A_55, %lt3A_57 : i1
      %and3A_59 = arith.andi %ne3A_58, %ne3A_54 : i1
      %add3A = arith.addi %rem3A_52, %select_n3A_51 : i32
      %select_n3A_60 = arith.select %and3A_59, %add3A, %rem3A_52 : i32
      %mul3A_61 = arith.constant 16 : i32
      %mul3A_62 = arith.muli %select_n3A_60, %mul3A_61 : i32
      %swap3A = arith.index_cast %select_n3A : i32 to index
      %swap3A_63 = arith.index_cast %mul3A_62 : i32 to index
      %swap3A_64 = tpu.vector_load %arg16[%swap3A, %swap3A_63] {strides = array<i32>} : memref<128x64xf32, #tpu.memory_space<vmem>>, vector<16xf32>,
      tpu.vector_store %arg16[%swap3A, %swap3A_63], %broadcast_in_dim3A_31 {strides = array<i32>} : memref<128x64xf32, #tpu.memory_space<vmem>>, vector<16xf32>,
      %scan3A_65 = arith.constant 0 : i32
      scf.yield %scan3A_65 : i32
    }
    %scan3A_5 = arith.constant 512 : i32
    %scan3A_6 = arith.constant 0 : i32
    %scan3A_7 = arith.constant 0 : i32
    %scan3A_8 = arith.constant 5 : i32
    %scan3A_9 = arith.addi %scan3A_7, %scan3A_8 : i32
    %scan3A_10 = arith.constant 1 : i32
    %scan3A_11 = scf.for %scan3A_29 = %scan3A_7 to %scan3A_9 step %scan3A_10 iter_args(%scan3A_30 = %scan3A_6) -> (i32)  : i32 {
      %mul3A_31 = arith.constant 640 : i32
      %mul3A_32 = arith.muli %arg1, %mul3A_31 : i32
      %mul3A_33 = arith.constant 128 : i32
      %mul3A_34 = arith.muli %scan3A_29, %mul3A_33 : i32
      %add3A = arith.addi %mul3A_32, %mul3A_34 : i32
      "tpu.region"() ({
        %run_scoped3A = tpu.sem_alloc : memref<!tpu.dma_semaphore, #tpu.memory_space<semaphore_mem>>
        %dma_start3A = arith.constant 0 : i32
        %dma_start3A_36 = tpu.memref_slice %arg17[%add3A, %dma_start3A] : memref<10240x64xf32, #tpu.memory_space<vmem_shared>> -> memref<128x64xf32, #tpu.memory_space<vmem_shared>>
        %dma_start3A_37 = arith.constant 0 : i32
        %dma_start3A_38 = tpu.memref_slice %arg17[%add3A, %dma_start3A_37] : memref<10240x64xf32, #tpu.memory_space<vmem_shared>> -> memref<128x64xf32, #tpu.memory_space<vmem_shared>>
        tpu.enqueue_dma source(%arg16 : memref<128x64xf32, #tpu.memory_space<vmem>>) target(%dma_start3A_38 : memref<128x64xf32, #tpu.memory_space<vmem_shared>>) target_semaphore(%run_scoped3A : memref<!tpu.dma_semaphore, #tpu.memory_space<semaphore_mem>>)
        %dma_wait3A = arith.constant 0 : i32
        %dma_wait3A_39 = tpu.memref_slice %arg17[%add3A, %dma_wait3A] : memref<10240x64xf32, #tpu.memory_space<vmem_shared>> -> memref<128x64xf32, #tpu.memory_space<vmem_shared>>
        %dma_wait3A_40 = arith.constant 0 : i32
        %dma_wait3A_41 = tpu.memref_slice %arg17[%add3A, %dma_wait3A_40] : memref<10240x64xf32, #tpu.memory_space<vmem_shared>> -> memref<128x64xf32, #tpu.memory_space<vmem_shared>>
        tpu.wait_dma2 semaphore(%run_scoped3A : memref<!tpu.dma_semaphore, #tpu.memory_space<semaphore_mem>>) src(%arg16 : memref<128x64xf32, #tpu.memory_space<vmem>>) dst(%dma_wait3A_41 : memref<128x64xf32, #tpu.memory_space<vmem_shared>>)
        tpu.yield
      }) : () -> ()
      %scan3A_35 = arith.constant 0 : i32
      scf.yield %scan3A_35 : i32
    }
    %scan3A_12 = arith.constant 5 : i32
    "tpu.region"() ({
      %run_scoped3A = tpu.sem_alloc : memref<!tpu.dma_semaphore, #tpu.memory_space<semaphore_mem>>
      tpu.enqueue_dma source(%arg3 : memref<40960xf32, #tpu.memory_space<hbm>>) target(%arg10 : memref<40960xf32, #tpu.memory_space<vmem>>) target_semaphore(%run_scoped3A : memref<!tpu.dma_semaphore, #tpu.memory_space<semaphore_mem>>)
      tpu.wait_dma2 semaphore(%run_scoped3A : memref<!tpu.dma_semaphore, #tpu.memory_space<semaphore_mem>>) src(%arg3 : memref<40960xf32, #tpu.memory_space<hbm>>) dst(%arg10 : memref<40960xf32, #tpu.memory_space<vmem>>)
      tpu.yield
    }) : () -> ()
    %barrier3A = arith.constant 0 : index
    tpu.barrier barrier_id(%barrier3A)
    %mul3A = arith.constant 800 : i32
    %mul3A_13 = arith.muli %arg1, %mul3A : i32
    %scan3A_14 = arith.constant 0 : i32
    %scan3A_15 = arith.constant 0 : i32
    %scan3A_16 = arith.constant 20 : i32
    %scan3A_17 = arith.addi %scan3A_15, %scan3A_16 : i32
    %scan3A_18 = arith.constant 1 : i32
    %scan3A_19 = scf.for %scan3A_29 = %scan3A_15 to %scan3A_17 step %scan3A_18 iter_args(%scan3A_30 = %scan3A_14) -> (i32)  : i32 {
      %mul3A_31 = arith.constant 40 : i32
      %mul3A_32 = arith.muli %scan3A_29, %mul3A_31 : i32
      %add3A = arith.addi %mul3A_13, %mul3A_32 : i32
      "tpu.region"() ({
        %run_scoped3A = tpu.sem_alloc : memref<!tpu.dma_semaphore, #tpu.memory_space<semaphore_mem>>
        %dma_start3A = arith.constant 0 : i32
        %dma_start3A_48 = tpu.memref_slice %arg4[%add3A, %dma_start3A] : memref<12800x128xi32, #tpu.memory_space<hbm>> -> memref<40x128xi32, #tpu.memory_space<hbm>>
        %dma_start3A_49 = arith.constant 0 : i32
        %dma_start3A_50 = tpu.memref_slice %arg4[%add3A, %dma_start3A_49] : memref<12800x128xi32, #tpu.memory_space<hbm>> -> memref<40x128xi32, #tpu.memory_space<hbm>>
        tpu.enqueue_dma source(%dma_start3A_50 : memref<40x128xi32, #tpu.memory_space<hbm>>) target(%arg11 : memref<40x128xi32, #tpu.memory_space<vmem>>) target_semaphore(%run_scoped3A : memref<!tpu.dma_semaphore, #tpu.memory_space<semaphore_mem>>)
        %dma_wait3A = arith.constant 0 : i32
        %dma_wait3A_51 = tpu.memref_slice %arg4[%add3A, %dma_wait3A] : memref<12800x128xi32, #tpu.memory_space<hbm>> -> memref<40x128xi32, #tpu.memory_space<hbm>>
        %dma_wait3A_52 = arith.constant 0 : i32
        %dma_wait3A_53 = tpu.memref_slice %arg4[%add3A, %dma_wait3A_52] : memref<12800x128xi32, #tpu.memory_space<hbm>> -> memref<40x128xi32, #tpu.memory_space<hbm>>
        tpu.wait_dma2 semaphore(%run_scoped3A : memref<!tpu.dma_semaphore, #tpu.memory_space<semaphore_mem>>) src(%dma_wait3A_53 : memref<40x128xi32, #tpu.memory_space<hbm>>) dst(%arg11 : memref<40x128xi32, #tpu.memory_space<vmem>>)
        tpu.yield
      }) : () -> ()
      "tpu.region"() ({
        %run_scoped3A = tpu.sem_alloc : memref<!tpu.dma_semaphore, #tpu.memory_space<semaphore_mem>>
        %dma_start3A = arith.constant 0 : i32
        %dma_start3A_48 = tpu.memref_slice %arg5[%add3A, %dma_start3A] : memref<12800x128xi32, #tpu.memory_space<hbm>> -> memref<40x128xi32, #tpu.memory_space<hbm>>
        %dma_start3A_49 = arith.constant 0 : i32
        %dma_start3A_50 = tpu.memref_slice %arg5[%add3A, %dma_start3A_49] : memref<12800x128xi32, #tpu.memory_space<hbm>> -> memref<40x128xi32, #tpu.memory_space<hbm>>
        tpu.enqueue_dma source(%dma_start3A_50 : memref<40x128xi32, #tpu.memory_space<hbm>>) target(%arg12 : memref<40x128xi32, #tpu.memory_space<vmem>>) target_semaphore(%run_scoped3A : memref<!tpu.dma_semaphore, #tpu.memory_space<semaphore_mem>>)
        %dma_wait3A = arith.constant 0 : i32
        %dma_wait3A_51 = tpu.memref_slice %arg5[%add3A, %dma_wait3A] : memref<12800x128xi32, #tpu.memory_space<hbm>> -> memref<40x128xi32, #tpu.memory_space<hbm>>
        %dma_wait3A_52 = arith.constant 0 : i32
        %dma_wait3A_53 = tpu.memref_slice %arg5[%add3A, %dma_wait3A_52] : memref<12800x128xi32, #tpu.memory_space<hbm>> -> memref<40x128xi32, #tpu.memory_space<hbm>>
        tpu.wait_dma2 semaphore(%run_scoped3A : memref<!tpu.dma_semaphore, #tpu.memory_space<semaphore_mem>>) src(%dma_wait3A_53 : memref<40x128xi32, #tpu.memory_space<hbm>>) dst(%arg12 : memref<40x128xi32, #tpu.memory_space<vmem>>)
        tpu.yield
      }) : () -> ()
      "tpu.region"() ({
        %run_scoped3A = tpu.sem_alloc : memref<!tpu.dma_semaphore, #tpu.memory_space<semaphore_mem>>
        %dma_start3A = arith.constant 0 : i32
        %dma_start3A_48 = tpu.memref_slice %arg6[%add3A, %dma_start3A] : memref<12800x128xi32, #tpu.memory_space<hbm>> -> memref<40x128xi32, #tpu.memory_space<hbm>>
        %dma_start3A_49 = arith.constant 0 : i32
        %dma_start3A_50 = tpu.memref_slice %arg6[%add3A, %dma_start3A_49] : memref<12800x128xi32, #tpu.memory_space<hbm>> -> memref<40x128xi32, #tpu.memory_space<hbm>>
        tpu.enqueue_dma source(%dma_start3A_50 : memref<40x128xi32, #tpu.memory_space<hbm>>) target(%arg13 : memref<40x128xi32, #tpu.memory_space<vmem>>) target_semaphore(%run_scoped3A : memref<!tpu.dma_semaphore, #tpu.memory_space<semaphore_mem>>)
        %dma_wait3A = arith.constant 0 : i32
        %dma_wait3A_51 = tpu.memref_slice %arg6[%add3A, %dma_wait3A] : memref<12800x128xi32, #tpu.memory_space<hbm>> -> memref<40x128xi32, #tpu.memory_space<hbm>>
        %dma_wait3A_52 = arith.constant 0 : i32
        %dma_wait3A_53 = tpu.memref_slice %arg6[%add3A, %dma_wait3A_52] : memref<12800x128xi32, #tpu.memory_space<hbm>> -> memref<40x128xi32, #tpu.memory_space<hbm>>
        tpu.wait_dma2 semaphore(%run_scoped3A : memref<!tpu.dma_semaphore, #tpu.memory_space<semaphore_mem>>) src(%dma_wait3A_53 : memref<40x128xi32, #tpu.memory_space<hbm>>) dst(%arg13 : memref<40x128xi32, #tpu.memory_space<vmem>>)
        tpu.yield
      }) : () -> ()
      "tpu.region"() ({
        %run_scoped3A = tpu.sem_alloc : memref<!tpu.dma_semaphore, #tpu.memory_space<semaphore_mem>>
        %dma_start3A = arith.constant 0 : i32
        %dma_start3A_48 = tpu.memref_slice %arg7[%add3A, %dma_start3A] : memref<12800x128xi32, #tpu.memory_space<hbm>> -> memref<40x128xi32, #tpu.memory_space<hbm>>
        %dma_start3A_49 = arith.constant 0 : i32
        %dma_start3A_50 = tpu.memref_slice %arg7[%add3A, %dma_start3A_49] : memref<12800x128xi32, #tpu.memory_space<hbm>> -> memref<40x128xi32, #tpu.memory_space<hbm>>
        tpu.enqueue_dma source(%dma_start3A_50 : memref<40x128xi32, #tpu.memory_space<hbm>>) target(%arg14 : memref<40x128xi32, #tpu.memory_space<vmem>>) target_semaphore(%run_scoped3A : memref<!tpu.dma_semaphore, #tpu.memory_space<semaphore_mem>>)
        %dma_wait3A = arith.constant 0 : i32
        %dma_wait3A_51 = tpu.memref_slice %arg7[%add3A, %dma_wait3A] : memref<12800x128xi32, #tpu.memory_space<hbm>> -> memref<40x128xi32, #tpu.memory_space<hbm>>
        %dma_wait3A_52 = arith.constant 0 : i32
        %dma_wait3A_53 = tpu.memref_slice %arg7[%add3A, %dma_wait3A_52] : memref<12800x128xi32, #tpu.memory_space<hbm>> -> memref<40x128xi32, #tpu.memory_space<hbm>>
        tpu.wait_dma2 semaphore(%run_scoped3A : memref<!tpu.dma_semaphore, #tpu.memory_space<semaphore_mem>>) src(%dma_wait3A_53 : memref<40x128xi32, #tpu.memory_space<hbm>>) dst(%arg14 : memref<40x128xi32, #tpu.memory_space<vmem>>)
        tpu.yield
      }) : () -> ()
      "tpu.region"() ({
        %run_scoped3A = tpu.sem_alloc : memref<!tpu.dma_semaphore, #tpu.memory_space<semaphore_mem>>
        %dma_start3A = arith.constant 0 : i32
        %dma_start3A_48 = tpu.memref_slice %arg8[%add3A, %dma_start3A] : memref<12800x128xf32, #tpu.memory_space<hbm>> -> memref<40x128xf32, #tpu.memory_space<hbm>>
        %dma_start3A_49 = arith.constant 0 : i32
        %dma_start3A_50 = tpu.memref_slice %arg8[%add3A, %dma_start3A_49] : memref<12800x128xf32, #tpu.memory_space<hbm>> -> memref<40x128xf32, #tpu.memory_space<hbm>>
        tpu.enqueue_dma source(%dma_start3A_50 : memref<40x128xf32, #tpu.memory_space<hbm>>) target(%arg15 : memref<40x128xf32, #tpu.memory_space<vmem>>) target_semaphore(%run_scoped3A : memref<!tpu.dma_semaphore, #tpu.memory_space<semaphore_mem>>)
        %dma_wait3A = arith.constant 0 : i32
        %dma_wait3A_51 = tpu.memref_slice %arg8[%add3A, %dma_wait3A] : memref<12800x128xf32, #tpu.memory_space<hbm>> -> memref<40x128xf32, #tpu.memory_space<hbm>>
        %dma_wait3A_52 = arith.constant 0 : i32
        %dma_wait3A_53 = tpu.memref_slice %arg8[%add3A, %dma_wait3A_52] : memref<12800x128xf32, #tpu.memory_space<hbm>> -> memref<40x128xf32, #tpu.memory_space<hbm>>
        tpu.wait_dma2 semaphore(%run_scoped3A : memref<!tpu.dma_semaphore, #tpu.memory_space<semaphore_mem>>) src(%dma_wait3A_53 : memref<40x128xf32, #tpu.memory_space<hbm>>) dst(%arg15 : memref<40x128xf32, #tpu.memory_space<vmem>>)
        tpu.yield
      }) : () -> ()
      %scan3A_33 = arith.constant 0 : i32
      %scan3A_34 = arith.constant 0 : i32
      %scan3A_35 = arith.constant 320 : i32
      %scan3A_36 = arith.addi %scan3A_34, %scan3A_35 : i32
      %scan3A_37 = arith.constant 1 : i32
      %scan3A_38 = scf.for %scan3A_48 = %scan3A_34 to %scan3A_36 step %scan3A_37 iter_args(%scan3A_49 = %scan3A_33) -> (i32)  : i32 {
        %jit3A = arith.constant 8 : i32
        %div3A = arith.divsi %scan3A_48, %jit3A : i32
        %sign3A = arith.constant 0 : i32
        %sign3A_50 = arith.cmpi sgt, %scan3A_48, %sign3A : i32
        %sign3A_51 = arith.extui %sign3A_50 : i1 to i32
        %sign3A_52 = arith.constant 0 : i32
        %sign3A_53 = arith.cmpi slt, %scan3A_48, %sign3A_52 : i32
        %sign3A_54 = arith.extui %sign3A_53 : i1 to i32
        %sign3A_55 = arith.subi %sign3A_51, %sign3A_54 : i32
        %sign3A_56 = arith.constant 0 : i32
        %sign3A_57 = arith.cmpi sgt, %jit3A, %sign3A_56 : i32
        %sign3A_58 = arith.extui %sign3A_57 : i1 to i32
        %sign3A_59 = arith.constant 0 : i32
        %sign3A_60 = arith.cmpi slt, %jit3A, %sign3A_59 : i32
        %sign3A_61 = arith.extui %sign3A_60 : i1 to i32
        %sign3A_62 = arith.subi %sign3A_58, %sign3A_61 : i32
        %ne3A = arith.cmpi ne, %sign3A_55, %sign3A_62 : i32
        %rem3A = arith.remsi %scan3A_48, %jit3A : i32
        %ne3A_63 = arith.constant 0 : i32
        %ne3A_64 = arith.cmpi ne, %rem3A, %ne3A_63 : i32
        %and3A = arith.andi %ne3A, %ne3A_64 : i1
        %sub3A = arith.constant 1 : i32
        %sub3A_65 = arith.subi %div3A, %sub3A : i32
        %select_n3A = arith.select %and3A, %sub3A_65, %div3A : i32
        %jit3A_66 = arith.constant 8 : i32
        %eq3A = arith.constant 0 : i32
        %eq3A_67 = arith.cmpi eq, %jit3A_66, %eq3A : i32
        %jit3A_68 = arith.constant 1 : i32
        %select_n3A_69 = arith.select %eq3A_67, %jit3A_68, %jit3A_66 : i32
        %rem3A_70 = arith.remsi %scan3A_48, %select_n3A_69 : i32
        %ne3A_71 = arith.constant 0 : i32
        %ne3A_72 = arith.cmpi ne, %rem3A_70, %ne3A_71 : i32
        %lt3A = arith.constant 0 : i32
        %lt3A_73 = arith.cmpi slt, %rem3A_70, %lt3A : i32
        %lt3A_74 = arith.constant 0 : i32
        %lt3A_75 = arith.cmpi slt, %select_n3A_69, %lt3A_74 : i32
        %ne3A_76 = arith.xori %lt3A_73, %lt3A_75 : i1
        %and3A_77 = arith.andi %ne3A_76, %ne3A_72 : i1
        %add3A_78 = arith.addi %rem3A_70, %select_n3A_69 : i32
        %select_n3A_79 = arith.select %and3A_77, %add3A_78, %rem3A_70 : i32
        %mul3A_80 = arith.constant 16 : i32
        %mul3A_81 = arith.muli %select_n3A_79, %mul3A_80 : i32
        %get3A = arith.index_cast %select_n3A : i32 to index
        %get3A_82 = arith.index_cast %mul3A_81 : i32 to index
        %get3A_83 = tpu.vector_load %arg13[%get3A, %get3A_82] {strides = array<i32>} : memref<40x128xi32, #tpu.memory_space<vmem>>, vector<16xi32>,
        %gather3A = tpu.vector_load_idx %arg10[%get3A_83] : memref<40960xf32, #tpu.memory_space<vmem>>[vector<16xi32>], vector<16xf32>,
        %get3A_84 = arith.index_cast %select_n3A : i32 to index
        %get3A_85 = arith.index_cast %mul3A_81 : i32 to index
        %get3A_86 = tpu.vector_load %arg14[%get3A_84, %get3A_85] {strides = array<i32>} : memref<40x128xi32, #tpu.memory_space<vmem>>, vector<16xi32>,
        %gather3A_87 = tpu.vector_load_idx %arg10[%get3A_86] : memref<40960xf32, #tpu.memory_space<vmem>>[vector<16xi32>], vector<16xf32>,
        %get3A_88 = arith.index_cast %select_n3A : i32 to index
        %get3A_89 = arith.index_cast %mul3A_81 : i32 to index
        %get3A_90 = tpu.vector_load %arg15[%get3A_88, %get3A_89] {strides = array<i32>} : memref<40x128xf32, #tpu.memory_space<vmem>>, vector<16xf32>,
        %mul3A_91 = arith.mulf %gather3A, %get3A_90 : vector<16xf32>
        %mul3A_92 = arith.mulf %mul3A_91, %gather3A_87 : vector<16xf32>
        %swap3A = arith.index_cast %select_n3A : i32 to index
        %swap3A_93 = arith.index_cast %mul3A_81 : i32 to index
        %swap3A_94 = tpu.vector_load %arg15[%swap3A, %swap3A_93] {strides = array<i32>} : memref<40x128xf32, #tpu.memory_space<vmem>>, vector<16xf32>,
        tpu.vector_store %arg15[%swap3A, %swap3A_93], %mul3A_92 {strides = array<i32>} : memref<40x128xf32, #tpu.memory_space<vmem>>, vector<16xf32>,
        %scan3A_95 = arith.constant 0 : i32
        scf.yield %scan3A_95 : i32
      }
      %scan3A_39 = arith.constant 320 : i32
      %scan3A_40 = arith.constant 0 : i32
      %scan3A_41 = arith.constant 0 : i32
      %scan3A_42 = arith.constant 40 : i32
      %scan3A_43 = arith.addi %scan3A_41, %scan3A_42 : i32
      %scan3A_44 = arith.constant 1 : i32
      %scan3A_45 = scf.for %scan3A_48 = %scan3A_41 to %scan3A_43 step %scan3A_44 iter_args(%scan3A_49 = %scan3A_40) -> (i32)  : i32 {
        "tpu.region"() ({
          %run_scoped3A = tpu.sem_alloc : memref<!tpu.dma_semaphore, #tpu.memory_space<semaphore_mem>>
          %dma_start3A = arith.constant 0 : i32
          %dma_start3A_58 = tpu.memref_slice %arg11[%scan3A_48, %dma_start3A] : memref<40x128xi32, #tpu.memory_space<vmem>> -> memref<1x128xi32, #tpu.memory_space<vmem>>
          %dma_start3A_59 = tpu.memref_squeeze %dma_start3A_58 : memref<1x128xi32, #tpu.memory_space<vmem>> -> memref<128xi32, #tpu.memory_space<vmem>>
          %dma_start3A_60 = arith.constant 0 : i32
          %dma_start3A_61 = arith.constant 0 : i32
          %dma_start3A_62 = tpu.memref_slice %arg2[%arg0, %dma_start3A_60, %dma_start3A_61] : memref<2x30000x64xf32, #tpu.memory_space<hbm>> -> memref<1x30000x64xf32, #tpu.memory_space<hbm>>
          %dma_start3A_63 = tpu.memref_squeeze %dma_start3A_62 : memref<1x30000x64xf32, #tpu.memory_space<hbm>> -> memref<30000x64xf32, #tpu.memory_space<hbm>>
          %dma_start3A_64 = arith.constant 0 : i32
          %dma_start3A_65 = arith.constant 0 : i32
          %dma_start3A_66 = tpu.memref_slice %dma_start3A_63[%dma_start3A_64, %dma_start3A_65] : memref<30000x64xf32, #tpu.memory_space<hbm>> -> memref<30000x64xf32, #tpu.memory_space<hbm>>
          tpu.enqueue_indirect_dma source(%dma_start3A_66 : memref<30000x64xf32, #tpu.memory_space<hbm>>) target(%arg16 : memref<128x64xf32, #tpu.memory_space<vmem>>) offsets(%dma_start3A_59 : memref<128xi32, #tpu.memory_space<vmem>>) semaphore(%run_scoped3A : memref<!tpu.dma_semaphore, #tpu.memory_space<semaphore_mem>>)
          %dma_wait3A = arith.constant 0 : i32
          %dma_wait3A_67 = tpu.memref_slice %arg11[%scan3A_48, %dma_wait3A] : memref<40x128xi32, #tpu.memory_space<vmem>> -> memref<1x128xi32, #tpu.memory_space<vmem>>
          %dma_wait3A_68 = tpu.memref_squeeze %dma_wait3A_67 : memref<1x128xi32, #tpu.memory_space<vmem>> -> memref<128xi32, #tpu.memory_space<vmem>>
          %dma_wait3A_69 = arith.constant 0 : i32
          %dma_wait3A_70 = arith.constant 0 : i32
          %dma_wait3A_71 = tpu.memref_slice %arg2[%arg0, %dma_wait3A_69, %dma_wait3A_70] : memref<2x30000x64xf32, #tpu.memory_space<hbm>> -> memref<1x30000x64xf32, #tpu.memory_space<hbm>>
          %dma_wait3A_72 = tpu.memref_squeeze %dma_wait3A_71 : memref<1x30000x64xf32, #tpu.memory_space<hbm>> -> memref<30000x64xf32, #tpu.memory_space<hbm>>
          %dma_wait3A_73 = arith.constant 0 : i32
          %dma_wait3A_74 = arith.constant 0 : i32
          %dma_wait3A_75 = tpu.memref_slice %dma_wait3A_72[%dma_wait3A_73, %dma_wait3A_74] : memref<30000x64xf32, #tpu.memory_space<hbm>> -> memref<30000x64xf32, #tpu.memory_space<hbm>>
          tpu.wait_indirect_dma semaphore(%run_scoped3A : memref<!tpu.dma_semaphore, #tpu.memory_space<semaphore_mem>>) src(%dma_wait3A_75 : memref<30000x64xf32, #tpu.memory_space<hbm>>) dst(%arg16 : memref<128x64xf32, #tpu.memory_space<vmem>>)
          tpu.yield
        }) : () -> ()
        %scan3A_50 = arith.constant 0 : i32
        %scan3A_51 = arith.constant 0 : i32
        %scan3A_52 = arith.constant 8 : i32
        %scan3A_53 = arith.addi %scan3A_51, %scan3A_52 : i32
        %scan3A_54 = arith.constant 1 : i32
        %scan3A_55 = scf.for %scan3A_58 = %scan3A_51 to %scan3A_53 step %scan3A_54 iter_args(%scan3A_59 = %scan3A_50) -> (i32)  : i32 {
          %mul3A_60 = arith.constant 16 : i32
          %mul3A_61 = arith.muli %scan3A_58, %mul3A_60 : i32
          %get3A = arith.index_cast %scan3A_48 : i32 to index
          %get3A_62 = arith.index_cast %mul3A_61 : i32 to index
          %get3A_63 = tpu.vector_load %arg15[%get3A, %get3A_62] {strides = array<i32>} : memref<40x128xf32, #tpu.memory_space<vmem>>, vector<16xf32>,
          %broadcast_in_dim3A = arith.constant 0 : i32
          %broadcast_in_dim3A_64 = vector.broadcast %broadcast_in_dim3A : i32 to vector<16xi32>
          %reshape3A = vector.shape_cast %broadcast_in_dim3A_64 : vector<16xi32> to vector<16x1xi32>
          %gather3A = vector.shape_cast %reshape3A : vector<16x1xi32> to vector<16xi32>
          %gather3A_65 = tpu.dynamic_gather %get3A_63[%gather3A] in [0] : vector<16xf32>, vector<16xi32> -> vector<16xf32>
          %mul3A_66 = arith.constant 16 : i32
          %mul3A_67 = arith.muli %scan3A_58, %mul3A_66 : i32
          %add3A_68 = arith.constant 0 : i32
          %add3A_69 = arith.addi %mul3A_67, %add3A_68 : i32
          %get3A_70 = arith.index_cast %add3A_69 : i32 to index
          %get3A_71 = arith.constant 0 : index
          %get3A_72 = tpu.vector_load %arg16[%get3A_70, %get3A_71] {strides = array<i32>} : memref<128x64xf32, #tpu.memory_space<vmem>>, vector<16xf32>,
          %mul3A_73 = arith.mulf %get3A_72, %gather3A_65 : vector<16xf32>
          %swap3A = arith.index_cast %add3A_69 : i32 to index
          %swap3A_74 = arith.constant 0 : index
          %swap3A_75 = tpu.vector_load %arg16[%swap3A, %swap3A_74] {strides = array<i32>} : memref<128x64xf32, #tpu.memory_space<vmem>>, vector<16xf32>,
          tpu.vector_store %arg16[%swap3A, %swap3A_74], %mul3A_73 {strides = array<i32>} : memref<128x64xf32, #tpu.memory_space<vmem>>, vector<16xf32>,
          %get3A_76 = arith.index_cast %add3A_69 : i32 to index
          %get3A_77 = arith.constant 16 : index
          %get3A_78 = tpu.vector_load %arg16[%get3A_76, %get3A_77] {strides = array<i32>} : memref<128x64xf32, #tpu.memory_space<vmem>>, vector<16xf32>,
          %mul3A_79 = arith.mulf %get3A_78, %gather3A_65 : vector<16xf32>
          %swap3A_80 = arith.index_cast %add3A_69 : i32 to index
          %swap3A_81 = arith.constant 16 : index
          %swap3A_82 = tpu.vector_load %arg16[%swap3A_80, %swap3A_81] {strides = array<i32>} : memref<128x64xf32, #tpu.memory_space<vmem>>, vector<16xf32>,
          tpu.vector_store %arg16[%swap3A_80, %swap3A_81], %mul3A_79 {strides = array<i32>} : memref<128x64xf32, #tpu.memory_space<vmem>>, vector<16xf32>,
          %get3A_83 = arith.index_cast %add3A_69 : i32 to index
          %get3A_84 = arith.constant 32 : index
          %get3A_85 = tpu.vector_load %arg16[%get3A_83, %get3A_84] {strides = array<i32>} : memref<128x64xf32, #tpu.memory_space<vmem>>, vector<16xf32>,
          %mul3A_86 = arith.mulf %get3A_85, %gather3A_65 : vector<16xf32>
          %swap3A_87 = arith.index_cast %add3A_69 : i32 to index
          %swap3A_88 = arith.constant 32 : index
          %swap3A_89 = tpu.vector_load %arg16[%swap3A_87, %swap3A_88] {strides = array<i32>} : memref<128x64xf32, #tpu.memory_space<vmem>>, vector<16xf32>,
          tpu.vector_store %arg16[%swap3A_87, %swap3A_88], %mul3A_86 {strides = array<i32>} : memref<128x64xf32, #tpu.memory_space<vmem>>, vector<16xf32>,
          %get3A_90 = arith.index_cast %add3A_69 : i32 to index
          %get3A_91 = arith.constant 48 : index
          %get3A_92 = tpu.vector_load %arg16[%get3A_90, %get3A_91] {strides = array<i32>} : memref<128x64xf32, #tpu.memory_space<vmem>>, vector<16xf32>,
          %mul3A_93 = arith.mulf %get3A_92, %gather3A_65 : vector<16xf32>
          %swap3A_94 = arith.index_cast %add3A_69 : i32 to index
          %swap3A_95 = arith.constant 48 : index
          %swap3A_96 = tpu.vector_load %arg16[%swap3A_94, %swap3A_95] {strides = array<i32>} : memref<128x64xf32, #tpu.memory_space<vmem>>, vector<16xf32>,
          tpu.vector_store %arg16[%swap3A_94, %swap3A_95], %mul3A_93 {strides = array<i32>} : memref<128x64xf32, #tpu.memory_space<vmem>>, vector<16xf32>,
          %broadcast_in_dim3A_97 = arith.constant 1 : i32
          %broadcast_in_dim3A_98 = vector.broadcast %broadcast_in_dim3A_97 : i32 to vector<16xi32>
          %reshape3A_99 = vector.shape_cast %broadcast_in_dim3A_98 : vector<16xi32> to vector<16x1xi32>
          %gather3A_100 = vector.shape_cast %reshape3A_99 : vector<16x1xi32> to vector<16xi32>
          %gather3A_101 = tpu.dynamic_gather %get3A_63[%gather3A_100] in [0] : vector<16xf32>, vector<16xi32> -> vector<16xf32>
          %mul3A_102 = arith.constant 16 : i32
          %mul3A_103 = arith.muli %scan3A_58, %mul3A_102 : i32
          %add3A_104 = arith.constant 1 : i32
          %add3A_105 = arith.addi %mul3A_103, %add3A_104 : i32
          %get3A_106 = arith.index_cast %add3A_105 : i32 to index
          %get3A_107 = arith.constant 0 : index
          %get3A_108 = tpu.vector_load %arg16[%get3A_106, %get3A_107] {strides = array<i32>} : memref<128x64xf32, #tpu.memory_space<vmem>>, vector<16xf32>,
          %mul3A_109 = arith.mulf %get3A_108, %gather3A_101 : vector<16xf32>
          %swap3A_110 = arith.index_cast %add3A_105 : i32 to index
          %swap3A_111 = arith.constant 0 : index
          %swap3A_112 = tpu.vector_load %arg16[%swap3A_110, %swap3A_111] {strides = array<i32>} : memref<128x64xf32, #tpu.memory_space<vmem>>, vector<16xf32>,
          tpu.vector_store %arg16[%swap3A_110, %swap3A_111], %mul3A_109 {strides = array<i32>} : memref<128x64xf32, #tpu.memory_space<vmem>>, vector<16xf32>,
          %get3A_113 = arith.index_cast %add3A_105 : i32 to index
          %get3A_114 = arith.constant 16 : index
          %get3A_115 = tpu.vector_load %arg16[%get3A_113, %get3A_114] {strides = array<i32>} : memref<128x64xf32, #tpu.memory_space<vmem>>, vector<16xf32>,
          %mul3A_116 = arith.mulf %get3A_115, %gather3A_101 : vector<16xf32>
          %swap3A_117 = arith.index_cast %add3A_105 : i32 to index
          %swap3A_118 = arith.constant 16 : index
          %swap3A_119 = tpu.vector_load %arg16[%swap3A_117, %swap3A_118] {strides = array<i32>} : memref<128x64xf32, #tpu.memory_space<vmem>>, vector<16xf32>,
          tpu.vector_store %arg16[%swap3A_117, %swap3A_118], %mul3A_116 {strides = array<i32>} : memref<128x64xf32, #tpu.memory_space<vmem>>, vector<16xf32>,
          %get3A_120 = arith.index_cast %add3A_105 : i32 to index
          %get3A_121 = arith.constant 32 : index
          %get3A_122 = tpu.vector_load %arg16[%get3A_120, %get3A_121] {strides = array<i32>} : memref<128x64xf32, #tpu.memory_space<vmem>>, vector<16xf32>,
          %mul3A_123 = arith.mulf %get3A_122, %gather3A_101 : vector<16xf32>
          %swap3A_124 = arith.index_cast %add3A_105 : i32 to index
          %swap3A_125 = arith.constant 32 : index
          %swap3A_126 = tpu.vector_load %arg16[%swap3A_124, %swap3A_125] {strides = array<i32>} : memref<128x64xf32, #tpu.memory_space<vmem>>, vector<16xf32>,
          tpu.vector_store %arg16[%swap3A_124, %swap3A_125], %mul3A_123 {strides = array<i32>} : memref<128x64xf32, #tpu.memory_space<vmem>>, vector<16xf32>,
          %get3A_127 = arith.index_cast %add3A_105 : i32 to index
          %get3A_128 = arith.constant 48 : index
          %get3A_129 = tpu.vector_load %arg16[%get3A_127, %get3A_128] {strides = array<i32>} : memref<128x64xf32, #tpu.memory_space<vmem>>, vector<16xf32>,
          %mul3A_130 = arith.mulf %get3A_129, %gather3A_101 : vector<16xf32>
          %swap3A_131 = arith.index_cast %add3A_105 : i32 to index
          %swap3A_132 = arith.constant 48 : index
          %swap3A_133 = tpu.vector_load %arg16[%swap3A_131, %swap3A_132] {strides = array<i32>} : memref<128x64xf32, #tpu.memory_space<vmem>>, vector<16xf32>,
          tpu.vector_store %arg16[%swap3A_131, %swap3A_132], %mul3A_130 {strides = array<i32>} : memref<128x64xf32, #tpu.memory_space<vmem>>, vector<16xf32>,
          %broadcast_in_dim3A_134 = arith.constant 2 : i32
          %broadcast_in_dim3A_135 = vector.broadcast %broadcast_in_dim3A_134 : i32 to vector<16xi32>
          %reshape3A_136 = vector.shape_cast %broadcast_in_dim3A_135 : vector<16xi32> to vector<16x1xi32>
          %gather3A_137 = vector.shape_cast %reshape3A_136 : vector<16x1xi32> to vector<16xi32>
          %gather3A_138 = tpu.dynamic_gather %get3A_63[%gather3A_137] in [0] : vector<16xf32>, vector<16xi32> -> vector<16xf32>
          %mul3A_139 = arith.constant 16 : i32
          %mul3A_140 = arith.muli %scan3A_58, %mul3A_139 : i32
          %add3A_141 = arith.constant 2 : i32
          %add3A_142 = arith.addi %mul3A_140, %add3A_141 : i32
          %get3A_143 = arith.index_cast %add3A_142 : i32 to index
          %get3A_144 = arith.constant 0 : index
          %get3A_145 = tpu.vector_load %arg16[%get3A_143, %get3A_144] {strides = array<i32>} : memref<128x64xf32, #tpu.memory_space<vmem>>, vector<16xf32>,
          %mul3A_146 = arith.mulf %get3A_145, %gather3A_138 : vector<16xf32>
          %swap3A_147 = arith.index_cast %add3A_142 : i32 to index
          %swap3A_148 = arith.constant 0 : index
          %swap3A_149 = tpu.vector_load %arg16[%swap3A_147, %swap3A_148] {strides = array<i32>} : memref<128x64xf32, #tpu.memory_space<vmem>>, vector<16xf32>,
          tpu.vector_store %arg16[%swap3A_147, %swap3A_148], %mul3A_146 {strides = array<i32>} : memref<128x64xf32, #tpu.memory_space<vmem>>, vector<16xf32>,
          %get3A_150 = arith.index_cast %add3A_142 : i32 to index
          %get3A_151 = arith.constant 16 : index
          %get3A_152 = tpu.vector_load %arg16[%get3A_150, %get3A_151] {strides = array<i32>} : memref<128x64xf32, #tpu.memory_space<vmem>>, vector<16xf32>,
          %mul3A_153 = arith.mulf %get3A_152, %gather3A_138 : vector<16xf32>
          %swap3A_154 = arith.index_cast %add3A_142 : i32 to index
          %swap3A_155 = arith.constant 16 : index
          %swap3A_156 = tpu.vector_load %arg16[%swap3A_154, %swap3A_155] {strides = array<i32>} : memref<128x64xf32, #tpu.memory_space<vmem>>, vector<16xf32>,
          tpu.vector_store %arg16[%swap3A_154, %swap3A_155], %mul3A_153 {strides = array<i32>} : memref<128x64xf32, #tpu.memory_space<vmem>>, vector<16xf32>,
          %get3A_157 = arith.index_cast %add3A_142 : i32 to index
          %get3A_158 = arith.constant 32 : index
          %get3A_159 = tpu.vector_load %arg16[%get3A_157, %get3A_158] {strides = array<i32>} : memref<128x64xf32, #tpu.memory_space<vmem>>, vector<16xf32>,
          %mul3A_160 = arith.mulf %get3A_159, %gather3A_138 : vector<16xf32>
          %swap3A_161 = arith.index_cast %add3A_142 : i32 to index
          %swap3A_162 = arith.constant 32 : index
          %swap3A_163 = tpu.vector_load %arg16[%swap3A_161, %swap3A_162] {strides = array<i32>} : memref<128x64xf32, #tpu.memory_space<vmem>>, vector<16xf32>,
          tpu.vector_store %arg16[%swap3A_161, %swap3A_162], %mul3A_160 {strides = array<i32>} : memref<128x64xf32, #tpu.memory_space<vmem>>, vector<16xf32>,
          %get3A_164 = arith.index_cast %add3A_142 : i32 to index
          %get3A_165 = arith.constant 48 : index
          %get3A_166 = tpu.vector_load %arg16[%get3A_164, %get3A_165] {strides = array<i32>} : memref<128x64xf32, #tpu.memory_space<vmem>>, vector<16xf32>,
          %mul3A_167 = arith.mulf %get3A_166, %gather3A_138 : vector<16xf32>
          %swap3A_168 = arith.index_cast %add3A_142 : i32 to index
          %swap3A_169 = arith.constant 48 : index
          %swap3A_170 = tpu.vector_load %arg16[%swap3A_168, %swap3A_169] {strides = array<i32>} : memref<128x64xf32, #tpu.memory_space<vmem>>, vector<16xf32>,
          tpu.vector_store %arg16[%swap3A_168, %swap3A_169], %mul3A_167 {strides = array<i32>} : memref<128x64xf32, #tpu.memory_space<vmem>>, vector<16xf32>,
          %broadcast_in_dim3A_171 = arith.constant 3 : i32
          %broadcast_in_dim3A_172 = vector.broadcast %broadcast_in_dim3A_171 : i32 to vector<16xi32>
          %reshape3A_173 = vector.shape_cast %broadcast_in_dim3A_172 : vector<16xi32> to vector<16x1xi32>
          %gather3A_174 = vector.shape_cast %reshape3A_173 : vector<16x1xi32> to vector<16xi32>
          %gather3A_175 = tpu.dynamic_gather %get3A_63[%gather3A_174] in [0] : vector<16xf32>, vector<16xi32> -> vector<16xf32>
          %mul3A_176 = arith.constant 16 : i32
          %mul3A_177 = arith.muli %scan3A_58, %mul3A_176 : i32
          %add3A_178 = arith.constant 3 : i32
          %add3A_179 = arith.addi %mul3A_177, %add3A_178 : i32
          %get3A_180 = arith.index_cast %add3A_179 : i32 to index
          %get3A_181 = arith.constant 0 : index
          %get3A_182 = tpu.vector_load %arg16[%get3A_180, %get3A_181] {strides = array<i32>} : memref<128x64xf32, #tpu.memory_space<vmem>>, vector<16xf32>,
          %mul3A_183 = arith.mulf %get3A_182, %gather3A_175 : vector<16xf32>
          %swap3A_184 = arith.index_cast %add3A_179 : i32 to index
          %swap3A_185 = arith.constant 0 : index
          %swap3A_186 = tpu.vector_load %arg16[%swap3A_184, %swap3A_185] {strides = array<i32>} : memref<128x64xf32, #tpu.memory_space<vmem>>, vector<16xf32>,
          tpu.vector_store %arg16[%swap3A_184, %swap3A_185], %mul3A_183 {strides = array<i32>} : memref<128x64xf32, #tpu.memory_space<vmem>>, vector<16xf32>,
          %get3A_187 = arith.index_cast %add3A_179 : i32 to index
          %get3A_188 = arith.constant 16 : index
          %get3A_189 = tpu.vector_load %arg16[%get3A_187, %get3A_188] {strides = array<i32>} : memref<128x64xf32, #tpu.memory_space<vmem>>, vector<16xf32>,
          %mul3A_190 = arith.mulf %get3A_189, %gather3A_175 : vector<16xf32>
          %swap3A_191 = arith.index_cast %add3A_179 : i32 to index
          %swap3A_192 = arith.constant 16 : index
          %swap3A_193 = tpu.vector_load %arg16[%swap3A_191, %swap3A_192] {strides = array<i32>} : memref<128x64xf32, #tpu.memory_space<vmem>>, vector<16xf32>,
          tpu.vector_store %arg16[%swap3A_191, %swap3A_192], %mul3A_190 {strides = array<i32>} : memref<128x64xf32, #tpu.memory_space<vmem>>, vector<16xf32>,
          %get3A_194 = arith.index_cast %add3A_179 : i32 to index
          %get3A_195 = arith.constant 32 : index
          %get3A_196 = tpu.vector_load %arg16[%get3A_194, %get3A_195] {strides = array<i32>} : memref<128x64xf32, #tpu.memory_space<vmem>>, vector<16xf32>,
          %mul3A_197 = arith.mulf %get3A_196, %gather3A_175 : vector<16xf32>
          %swap3A_198 = arith.index_cast %add3A_179 : i32 to index
          %swap3A_199 = arith.constant 32 : index
          %swap3A_200 = tpu.vector_load %arg16[%swap3A_198, %swap3A_199] {strides = array<i32>} : memref<128x64xf32, #tpu.memory_space<vmem>>, vector<16xf32>,
          tpu.vector_store %arg16[%swap3A_198, %swap3A_199], %mul3A_197 {strides = array<i32>} : memref<128x64xf32, #tpu.memory_space<vmem>>, vector<16xf32>,
          %get3A_201 = arith.index_cast %add3A_179 : i32 to index
          %get3A_202 = arith.constant 48 : index
          %get3A_203 = tpu.vector_load %arg16[%get3A_201, %get3A_202] {strides = array<i32>} : memref<128x64xf32, #tpu.memory_space<vmem>>, vector<16xf32>,
          %mul3A_204 = arith.mulf %get3A_203, %gather3A_175 : vector<16xf32>
          %swap3A_205 = arith.index_cast %add3A_179 : i32 to index
          %swap3A_206 = arith.constant 48 : index
          %swap3A_207 = tpu.vector_load %arg16[%swap3A_205, %swap3A_206] {strides = array<i32>} : memref<128x64xf32, #tpu.memory_space<vmem>>, vector<16xf32>,
          tpu.vector_store %arg16[%swap3A_205, %swap3A_206], %mul3A_204 {strides = array<i32>} : memref<128x64xf32, #tpu.memory_space<vmem>>, vector<16xf32>,
          %broadcast_in_dim3A_208 = arith.constant 4 : i32
          %broadcast_in_dim3A_209 = vector.broadcast %broadcast_in_dim3A_208 : i32 to vector<16xi32>
          %reshape3A_210 = vector.shape_cast %broadcast_in_dim3A_209 : vector<16xi32> to vector<16x1xi32>
          %gather3A_211 = vector.shape_cast %reshape3A_210 : vector<16x1xi32> to vector<16xi32>
          %gather3A_212 = tpu.dynamic_gather %get3A_63[%gather3A_211] in [0] : vector<16xf32>, vector<16xi32> -> vector<16xf32>
          %mul3A_213 = arith.constant 16 : i32
          %mul3A_214 = arith.muli %scan3A_58, %mul3A_213 : i32
          %add3A_215 = arith.constant 4 : i32
          %add3A_216 = arith.addi %mul3A_214, %add3A_215 : i32
          %get3A_217 = arith.index_cast %add3A_216 : i32 to index
          %get3A_218 = arith.constant 0 : index
          %get3A_219 = tpu.vector_load %arg16[%get3A_217, %get3A_218] {strides = array<i32>} : memref<128x64xf32, #tpu.memory_space<vmem>>, vector<16xf32>,
          %mul3A_220 = arith.mulf %get3A_219, %gather3A_212 : vector<16xf32>
          %swap3A_221 = arith.index_cast %add3A_216 : i32 to index
          %swap3A_222 = arith.constant 0 : index
          %swap3A_223 = tpu.vector_load %arg16[%swap3A_221, %swap3A_222] {strides = array<i32>} : memref<128x64xf32, #tpu.memory_space<vmem>>, vector<16xf32>,
          tpu.vector_store %arg16[%swap3A_221, %swap3A_222], %mul3A_220 {strides = array<i32>} : memref<128x64xf32, #tpu.memory_space<vmem>>, vector<16xf32>,
          %get3A_224 = arith.index_cast %add3A_216 : i32 to index
          %get3A_225 = arith.constant 16 : index
          %get3A_226 = tpu.vector_load %arg16[%get3A_224, %get3A_225] {strides = array<i32>} : memref<128x64xf32, #tpu.memory_space<vmem>>, vector<16xf32>,
          %mul3A_227 = arith.mulf %get3A_226, %gather3A_212 : vector<16xf32>
          %swap3A_228 = arith.index_cast %add3A_216 : i32 to index
          %swap3A_229 = arith.constant 16 : index
          %swap3A_230 = tpu.vector_load %arg16[%swap3A_228, %swap3A_229] {strides = array<i32>} : memref<128x64xf32, #tpu.memory_space<vmem>>, vector<16xf32>,
          tpu.vector_store %arg16[%swap3A_228, %swap3A_229], %mul3A_227 {strides = array<i32>} : memref<128x64xf32, #tpu.memory_space<vmem>>, vector<16xf32>,
          %get3A_231 = arith.index_cast %add3A_216 : i32 to index
          %get3A_232 = arith.constant 32 : index
          %get3A_233 = tpu.vector_load %arg16[%get3A_231, %get3A_232] {strides = array<i32>} : memref<128x64xf32, #tpu.memory_space<vmem>>, vector<16xf32>,
          %mul3A_234 = arith.mulf %get3A_233, %gather3A_212 : vector<16xf32>
          %swap3A_235 = arith.index_cast %add3A_216 : i32 to index
          %swap3A_236 = arith.constant 32 : index
          %swap3A_237 = tpu.vector_load %arg16[%swap3A_235, %swap3A_236] {strides = array<i32>} : memref<128x64xf32, #tpu.memory_space<vmem>>, vector<16xf32>,
          tpu.vector_store %arg16[%swap3A_235, %swap3A_236], %mul3A_234 {strides = array<i32>} : memref<128x64xf32, #tpu.memory_space<vmem>>, vector<16xf32>,
          %get3A_238 = arith.index_cast %add3A_216 : i32 to index
          %get3A_239 = arith.constant 48 : index
          %get3A_240 = tpu.vector_load %arg16[%get3A_238, %get3A_239] {strides = array<i32>} : memref<128x64xf32, #tpu.memory_space<vmem>>, vector<16xf32>,
          %mul3A_241 = arith.mulf %get3A_240, %gather3A_212 : vector<16xf32>
          %swap3A_242 = arith.index_cast %add3A_216 : i32 to index
          %swap3A_243 = arith.constant 48 : index
          %swap3A_244 = tpu.vector_load %arg16[%swap3A_242, %swap3A_243] {strides = array<i32>} : memref<128x64xf32, #tpu.memory_space<vmem>>, vector<16xf32>,
          tpu.vector_store %arg16[%swap3A_242, %swap3A_243], %mul3A_241 {strides = array<i32>} : memref<128x64xf32, #tpu.memory_space<vmem>>, vector<16xf32>,
          %broadcast_in_dim3A_245 = arith.constant 5 : i32
          %broadcast_in_dim3A_246 = vector.broadcast %broadcast_in_dim3A_245 : i32 to vector<16xi32>
          %reshape3A_247 = vector.shape_cast %broadcast_in_dim3A_246 : vector<16xi32> to vector<16x1xi32>
          %gather3A_248 = vector.shape_cast %reshape3A_247 : vector<16x1xi32> to vector<16xi32>
          %gather3A_249 = tpu.dynamic_gather %get3A_63[%gather3A_248] in [0] : vector<16xf32>, vector<16xi32> -> vector<16xf32>
          %mul3A_250 = arith.constant 16 : i32
          %mul3A_251 = arith.muli %scan3A_58, %mul3A_250 : i32
          %add3A_252 = arith.constant 5 : i32
          %add3A_253 = arith.addi %mul3A_251, %add3A_252 : i32
          %get3A_254 = arith.index_cast %add3A_253 : i32 to index
          %get3A_255 = arith.constant 0 : index
          %get3A_256 = tpu.vector_load %arg16[%get3A_254, %get3A_255] {strides = array<i32>} : memref<128x64xf32, #tpu.memory_space<vmem>>, vector<16xf32>,
          %mul3A_257 = arith.mulf %get3A_256, %gather3A_249 : vector<16xf32>
          %swap3A_258 = arith.index_cast %add3A_253 : i32 to index
          %swap3A_259 = arith.constant 0 : index
          %swap3A_260 = tpu.vector_load %arg16[%swap3A_258, %swap3A_259] {strides = array<i32>} : memref<128x64xf32, #tpu.memory_space<vmem>>, vector<16xf32>,
          tpu.vector_store %arg16[%swap3A_258, %swap3A_259], %mul3A_257 {strides = array<i32>} : memref<128x64xf32, #tpu.memory_space<vmem>>, vector<16xf32>,
          %get3A_261 = arith.index_cast %add3A_253 : i32 to index
          %get3A_262 = arith.constant 16 : index
          %get3A_263 = tpu.vector_load %arg16[%get3A_261, %get3A_262] {strides = array<i32>} : memref<128x64xf32, #tpu.memory_space<vmem>>, vector<16xf32>,
          %mul3A_264 = arith.mulf %get3A_263, %gather3A_249 : vector<16xf32>
          %swap3A_265 = arith.index_cast %add3A_253 : i32 to index
          %swap3A_266 = arith.constant 16 : index
          %swap3A_267 = tpu.vector_load %arg16[%swap3A_265, %swap3A_266] {strides = array<i32>} : memref<128x64xf32, #tpu.memory_space<vmem>>, vector<16xf32>,
          tpu.vector_store %arg16[%swap3A_265, %swap3A_266], %mul3A_264 {strides = array<i32>} : memref<128x64xf32, #tpu.memory_space<vmem>>, vector<16xf32>,
          %get3A_268 = arith.index_cast %add3A_253 : i32 to index
          %get3A_269 = arith.constant 32 : index
          %get3A_270 = tpu.vector_load %arg16[%get3A_268, %get3A_269] {strides = array<i32>} : memref<128x64xf32, #tpu.memory_space<vmem>>, vector<16xf32>,
          %mul3A_271 = arith.mulf %get3A_270, %gather3A_249 : vector<16xf32>
          %swap3A_272 = arith.index_cast %add3A_253 : i32 to index
          %swap3A_273 = arith.constant 32 : index
          %swap3A_274 = tpu.vector_load %arg16[%swap3A_272, %swap3A_273] {strides = array<i32>} : memref<128x64xf32, #tpu.memory_space<vmem>>, vector<16xf32>,
          tpu.vector_store %arg16[%swap3A_272, %swap3A_273], %mul3A_271 {strides = array<i32>} : memref<128x64xf32, #tpu.memory_space<vmem>>, vector<16xf32>,
          %get3A_275 = arith.index_cast %add3A_253 : i32 to index
          %get3A_276 = arith.constant 48 : index
          %get3A_277 = tpu.vector_load %arg16[%get3A_275, %get3A_276] {strides = array<i32>} : memref<128x64xf32, #tpu.memory_space<vmem>>, vector<16xf32>,
          %mul3A_278 = arith.mulf %get3A_277, %gather3A_249 : vector<16xf32>
          %swap3A_279 = arith.index_cast %add3A_253 : i32 to index
          %swap3A_280 = arith.constant 48 : index
          %swap3A_281 = tpu.vector_load %arg16[%swap3A_279, %swap3A_280] {strides = array<i32>} : memref<128x64xf32, #tpu.memory_space<vmem>>, vector<16xf32>,
          tpu.vector_store %arg16[%swap3A_279, %swap3A_280], %mul3A_278 {strides = array<i32>} : memref<128x64xf32, #tpu.memory_space<vmem>>, vector<16xf32>,
          %broadcast_in_dim3A_282 = arith.constant 6 : i32
          %broadcast_in_dim3A_283 = vector.broadcast %broadcast_in_dim3A_282 : i32 to vector<16xi32>
          %reshape3A_284 = vector.shape_cast %broadcast_in_dim3A_283 : vector<16xi32> to vector<16x1xi32>
          %gather3A_285 = vector.shape_cast %reshape3A_284 : vector<16x1xi32> to vector<16xi32>
          %gather3A_286 = tpu.dynamic_gather %get3A_63[%gather3A_285] in [0] : vector<16xf32>, vector<16xi32> -> vector<16xf32>
          %mul3A_287 = arith.constant 16 : i32
          %mul3A_288 = arith.muli %scan3A_58, %mul3A_287 : i32
          %add3A_289 = arith.constant 6 : i32
          %add3A_290 = arith.addi %mul3A_288, %add3A_289 : i32
          %get3A_291 = arith.index_cast %add3A_290 : i32 to index
          %get3A_292 = arith.constant 0 : index
          %get3A_293 = tpu.vector_load %arg16[%get3A_291, %get3A_292] {strides = array<i32>} : memref<128x64xf32, #tpu.memory_space<vmem>>, vector<16xf32>,
          %mul3A_294 = arith.mulf %get3A_293, %gather3A_286 : vector<16xf32>
          %swap3A_295 = arith.index_cast %add3A_290 : i32 to index
          %swap3A_296 = arith.constant 0 : index
          %swap3A_297 = tpu.vector_load %arg16[%swap3A_295, %swap3A_296] {strides = array<i32>} : memref<128x64xf32, #tpu.memory_space<vmem>>, vector<16xf32>,
          tpu.vector_store %arg16[%swap3A_295, %swap3A_296], %mul3A_294 {strides = array<i32>} : memref<128x64xf32, #tpu.memory_space<vmem>>, vector<16xf32>,
          %get3A_298 = arith.index_cast %add3A_290 : i32 to index
          %get3A_299 = arith.constant 16 : index
          %get3A_300 = tpu.vector_load %arg16[%get3A_298, %get3A_299] {strides = array<i32>} : memref<128x64xf32, #tpu.memory_space<vmem>>, vector<16xf32>,
          %mul3A_301 = arith.mulf %get3A_300, %gather3A_286 : vector<16xf32>
          %swap3A_302 = arith.index_cast %add3A_290 : i32 to index
          %swap3A_303 = arith.constant 16 : index
          %swap3A_304 = tpu.vector_load %arg16[%swap3A_302, %swap3A_303] {strides = array<i32>} : memref<128x64xf32, #tpu.memory_space<vmem>>, vector<16xf32>,
          tpu.vector_store %arg16[%swap3A_302, %swap3A_303], %mul3A_301 {strides = array<i32>} : memref<128x64xf32, #tpu.memory_space<vmem>>, vector<16xf32>,
          %get3A_305 = arith.index_cast %add3A_290 : i32 to index
          %get3A_306 = arith.constant 32 : index
          %get3A_307 = tpu.vector_load %arg16[%get3A_305, %get3A_306] {strides = array<i32>} : memref<128x64xf32, #tpu.memory_space<vmem>>, vector<16xf32>,
          %mul3A_308 = arith.mulf %get3A_307, %gather3A_286 : vector<16xf32>
          %swap3A_309 = arith.index_cast %add3A_290 : i32 to index
          %swap3A_310 = arith.constant 32 : index
          %swap3A_311 = tpu.vector_load %arg16[%swap3A_309, %swap3A_310] {strides = array<i32>} : memref<128x64xf32, #tpu.memory_space<vmem>>, vector<16xf32>,
          tpu.vector_store %arg16[%swap3A_309, %swap3A_310], %mul3A_308 {strides = array<i32>} : memref<128x64xf32, #tpu.memory_space<vmem>>, vector<16xf32>,
          %get3A_312 = arith.index_cast %add3A_290 : i32 to index
          %get3A_313 = arith.constant 48 : index
          %get3A_314 = tpu.vector_load %arg16[%get3A_312, %get3A_313] {strides = array<i32>} : memref<128x64xf32, #tpu.memory_space<vmem>>, vector<16xf32>,
          %mul3A_315 = arith.mulf %get3A_314, %gather3A_286 : vector<16xf32>
          %swap3A_316 = arith.index_cast %add3A_290 : i32 to index
          %swap3A_317 = arith.constant 48 : index
          %swap3A_318 = tpu.vector_load %arg16[%swap3A_316, %swap3A_317] {strides = array<i32>} : memref<128x64xf32, #tpu.memory_space<vmem>>, vector<16xf32>,
          tpu.vector_store %arg16[%swap3A_316, %swap3A_317], %mul3A_315 {strides = array<i32>} : memref<128x64xf32, #tpu.memory_space<vmem>>, vector<16xf32>,
          %broadcast_in_dim3A_319 = arith.constant 7 : i32
          %broadcast_in_dim3A_320 = vector.broadcast %broadcast_in_dim3A_319 : i32 to vector<16xi32>
          %reshape3A_321 = vector.shape_cast %broadcast_in_dim3A_320 : vector<16xi32> to vector<16x1xi32>
          %gather3A_322 = vector.shape_cast %reshape3A_321 : vector<16x1xi32> to vector<16xi32>
          %gather3A_323 = tpu.dynamic_gather %get3A_63[%gather3A_322] in [0] : vector<16xf32>, vector<16xi32> -> vector<16xf32>
          %mul3A_324 = arith.constant 16 : i32
          %mul3A_325 = arith.muli %scan3A_58, %mul3A_324 : i32
          %add3A_326 = arith.constant 7 : i32
          %add3A_327 = arith.addi %mul3A_325, %add3A_326 : i32
          %get3A_328 = arith.index_cast %add3A_327 : i32 to index
          %get3A_329 = arith.constant 0 : index
          %get3A_330 = tpu.vector_load %arg16[%get3A_328, %get3A_329] {strides = array<i32>} : memref<128x64xf32, #tpu.memory_space<vmem>>, vector<16xf32>,
          %mul3A_331 = arith.mulf %get3A_330, %gather3A_323 : vector<16xf32>
          %swap3A_332 = arith.index_cast %add3A_327 : i32 to index
          %swap3A_333 = arith.constant 0 : index
          %swap3A_334 = tpu.vector_load %arg16[%swap3A_332, %swap3A_333] {strides = array<i32>} : memref<128x64xf32, #tpu.memory_space<vmem>>, vector<16xf32>,
          tpu.vector_store %arg16[%swap3A_332, %swap3A_333], %mul3A_331 {strides = array<i32>} : memref<128x64xf32, #tpu.memory_space<vmem>>, vector<16xf32>,
          %get3A_335 = arith.index_cast %add3A_327 : i32 to index
          %get3A_336 = arith.constant 16 : index
          %get3A_337 = tpu.vector_load %arg16[%get3A_335, %get3A_336] {strides = array<i32>} : memref<128x64xf32, #tpu.memory_space<vmem>>, vector<16xf32>,
          %mul3A_338 = arith.mulf %get3A_337, %gather3A_323 : vector<16xf32>
          %swap3A_339 = arith.index_cast %add3A_327 : i32 to index
          %swap3A_340 = arith.constant 16 : index
          %swap3A_341 = tpu.vector_load %arg16[%swap3A_339, %swap3A_340] {strides = array<i32>} : memref<128x64xf32, #tpu.memory_space<vmem>>, vector<16xf32>,
          tpu.vector_store %arg16[%swap3A_339, %swap3A_340], %mul3A_338 {strides = array<i32>} : memref<128x64xf32, #tpu.memory_space<vmem>>, vector<16xf32>,
          %get3A_342 = arith.index_cast %add3A_327 : i32 to index
          %get3A_343 = arith.constant 32 : index
          %get3A_344 = tpu.vector_load %arg16[%get3A_342, %get3A_343] {strides = array<i32>} : memref<128x64xf32, #tpu.memory_space<vmem>>, vector<16xf32>,
          %mul3A_345 = arith.mulf %get3A_344, %gather3A_323 : vector<16xf32>
          %swap3A_346 = arith.index_cast %add3A_327 : i32 to index
          %swap3A_347 = arith.constant 32 : index
          %swap3A_348 = tpu.vector_load %arg16[%swap3A_346, %swap3A_347] {strides = array<i32>} : memref<128x64xf32, #tpu.memory_space<vmem>>, vector<16xf32>,
          tpu.vector_store %arg16[%swap3A_346, %swap3A_347], %mul3A_345 {strides = array<i32>} : memref<128x64xf32, #tpu.memory_space<vmem>>, vector<16xf32>,
          %get3A_349 = arith.index_cast %add3A_327 : i32 to index
          %get3A_350 = arith.constant 48 : index
          %get3A_351 = tpu.vector_load %arg16[%get3A_349, %get3A_350] {strides = array<i32>} : memref<128x64xf32, #tpu.memory_space<vmem>>, vector<16xf32>,
          %mul3A_352 = arith.mulf %get3A_351, %gather3A_323 : vector<16xf32>
          %swap3A_353 = arith.index_cast %add3A_327 : i32 to index
          %swap3A_354 = arith.constant 48 : index
          %swap3A_355 = tpu.vector_load %arg16[%swap3A_353, %swap3A_354] {strides = array<i32>} : memref<128x64xf32, #tpu.memory_space<vmem>>, vector<16xf32>,
          tpu.vector_store %arg16[%swap3A_353, %swap3A_354], %mul3A_352 {strides = array<i32>} : memref<128x64xf32, #tpu.memory_space<vmem>>, vector<16xf32>,
          %broadcast_in_dim3A_356 = arith.constant 8 : i32
          %broadcast_in_dim3A_357 = vector.broadcast %broadcast_in_dim3A_356 : i32 to vector<16xi32>
          %reshape3A_358 = vector.shape_cast %broadcast_in_dim3A_357 : vector<16xi32> to vector<16x1xi32>
          %gather3A_359 = vector.shape_cast %reshape3A_358 : vector<16x1xi32> to vector<16xi32>
          %gather3A_360 = tpu.dynamic_gather %get3A_63[%gather3A_359] in [0] : vector<16xf32>, vector<16xi32> -> vector<16xf32>
          %mul3A_361 = arith.constant 16 : i32
          %mul3A_362 = arith.muli %scan3A_58, %mul3A_361 : i32
          %add3A_363 = arith.constant 8 : i32
          %add3A_364 = arith.addi %mul3A_362, %add3A_363 : i32
          %get3A_365 = arith.index_cast %add3A_364 : i32 to index
          %get3A_366 = arith.constant 0 : index
          %get3A_367 = tpu.vector_load %arg16[%get3A_365, %get3A_366] {strides = array<i32>} : memref<128x64xf32, #tpu.memory_space<vmem>>, vector<16xf32>,
          %mul3A_368 = arith.mulf %get3A_367, %gather3A_360 : vector<16xf32>
          %swap3A_369 = arith.index_cast %add3A_364 : i32 to index
          %swap3A_370 = arith.constant 0 : index
          %swap3A_371 = tpu.vector_load %arg16[%swap3A_369, %swap3A_370] {strides = array<i32>} : memref<128x64xf32, #tpu.memory_space<vmem>>, vector<16xf32>,
          tpu.vector_store %arg16[%swap3A_369, %swap3A_370], %mul3A_368 {strides = array<i32>} : memref<128x64xf32, #tpu.memory_space<vmem>>, vector<16xf32>,
          %get3A_372 = arith.index_cast %add3A_364 : i32 to index
          %get3A_373 = arith.constant 16 : index
          %get3A_374 = tpu.vector_load %arg16[%get3A_372, %get3A_373] {strides = array<i32>} : memref<128x64xf32, #tpu.memory_space<vmem>>, vector<16xf32>,
          %mul3A_375 = arith.mulf %get3A_374, %gather3A_360 : vector<16xf32>
          %swap3A_376 = arith.index_cast %add3A_364 : i32 to index
          %swap3A_377 = arith.constant 16 : index
          %swap3A_378 = tpu.vector_load %arg16[%swap3A_376, %swap3A_377] {strides = array<i32>} : memref<128x64xf32, #tpu.memory_space<vmem>>, vector<16xf32>,
          tpu.vector_store %arg16[%swap3A_376, %swap3A_377], %mul3A_375 {strides = array<i32>} : memref<128x64xf32, #tpu.memory_space<vmem>>, vector<16xf32>,
          %get3A_379 = arith.index_cast %add3A_364 : i32 to index
          %get3A_380 = arith.constant 32 : index
          %get3A_381 = tpu.vector_load %arg16[%get3A_379, %get3A_380] {strides = array<i32>} : memref<128x64xf32, #tpu.memory_space<vmem>>, vector<16xf32>,
          %mul3A_382 = arith.mulf %get3A_381, %gather3A_360 : vector<16xf32>
          %swap3A_383 = arith.index_cast %add3A_364 : i32 to index
          %swap3A_384 = arith.constant 32 : index
          %swap3A_385 = tpu.vector_load %arg16[%swap3A_383, %swap3A_384] {strides = array<i32>} : memref<128x64xf32, #tpu.memory_space<vmem>>, vector<16xf32>,
          tpu.vector_store %arg16[%swap3A_383, %swap3A_384], %mul3A_382 {strides = array<i32>} : memref<128x64xf32, #tpu.memory_space<vmem>>, vector<16xf32>,
          %get3A_386 = arith.index_cast %add3A_364 : i32 to index
          %get3A_387 = arith.constant 48 : index
          %get3A_388 = tpu.vector_load %arg16[%get3A_386, %get3A_387] {strides = array<i32>} : memref<128x64xf32, #tpu.memory_space<vmem>>, vector<16xf32>,
          %mul3A_389 = arith.mulf %get3A_388, %gather3A_360 : vector<16xf32>
          %swap3A_390 = arith.index_cast %add3A_364 : i32 to index
          %swap3A_391 = arith.constant 48 : index
          %swap3A_392 = tpu.vector_load %arg16[%swap3A_390, %swap3A_391] {strides = array<i32>} : memref<128x64xf32, #tpu.memory_space<vmem>>, vector<16xf32>,
          tpu.vector_store %arg16[%swap3A_390, %swap3A_391], %mul3A_389 {strides = array<i32>} : memref<128x64xf32, #tpu.memory_space<vmem>>, vector<16xf32>,
          %broadcast_in_dim3A_393 = arith.constant 9 : i32
          %broadcast_in_dim3A_394 = vector.broadcast %broadcast_in_dim3A_393 : i32 to vector<16xi32>
          %reshape3A_395 = vector.shape_cast %broadcast_in_dim3A_394 : vector<16xi32> to vector<16x1xi32>
          %gather3A_396 = vector.shape_cast %reshape3A_395 : vector<16x1xi32> to vector<16xi32>
          %gather3A_397 = tpu.dynamic_gather %get3A_63[%gather3A_396] in [0] : vector<16xf32>, vector<16xi32> -> vector<16xf32>
          %mul3A_398 = arith.constant 16 : i32
          %mul3A_399 = arith.muli %scan3A_58, %mul3A_398 : i32
          %add3A_400 = arith.constant 9 : i32
          %add3A_401 = arith.addi %mul3A_399, %add3A_400 : i32
          %get3A_402 = arith.index_cast %add3A_401 : i32 to index
          %get3A_403 = arith.constant 0 : index
          %get3A_404 = tpu.vector_load %arg16[%get3A_402, %get3A_403] {strides = array<i32>} : memref<128x64xf32, #tpu.memory_space<vmem>>, vector<16xf32>,
          %mul3A_405 = arith.mulf %get3A_404, %gather3A_397 : vector<16xf32>
          %swap3A_406 = arith.index_cast %add3A_401 : i32 to index
          %swap3A_407 = arith.constant 0 : index
          %swap3A_408 = tpu.vector_load %arg16[%swap3A_406, %swap3A_407] {strides = array<i32>} : memref<128x64xf32, #tpu.memory_space<vmem>>, vector<16xf32>,
          tpu.vector_store %arg16[%swap3A_406, %swap3A_407], %mul3A_405 {strides = array<i32>} : memref<128x64xf32, #tpu.memory_space<vmem>>, vector<16xf32>,
          %get3A_409 = arith.index_cast %add3A_401 : i32 to index
          %get3A_410 = arith.constant 16 : index
          %get3A_411 = tpu.vector_load %arg16[%get3A_409, %get3A_410] {strides = array<i32>} : memref<128x64xf32, #tpu.memory_space<vmem>>, vector<16xf32>,
          %mul3A_412 = arith.mulf %get3A_411, %gather3A_397 : vector<16xf32>
          %swap3A_413 = arith.index_cast %add3A_401 : i32 to index
          %swap3A_414 = arith.constant 16 : index
          %swap3A_415 = tpu.vector_load %arg16[%swap3A_413, %swap3A_414] {strides = array<i32>} : memref<128x64xf32, #tpu.memory_space<vmem>>, vector<16xf32>,
          tpu.vector_store %arg16[%swap3A_413, %swap3A_414], %mul3A_412 {strides = array<i32>} : memref<128x64xf32, #tpu.memory_space<vmem>>, vector<16xf32>,
          %get3A_416 = arith.index_cast %add3A_401 : i32 to index
          %get3A_417 = arith.constant 32 : index
          %get3A_418 = tpu.vector_load %arg16[%get3A_416, %get3A_417] {strides = array<i32>} : memref<128x64xf32, #tpu.memory_space<vmem>>, vector<16xf32>,
          %mul3A_419 = arith.mulf %get3A_418, %gather3A_397 : vector<16xf32>
          %swap3A_420 = arith.index_cast %add3A_401 : i32 to index
          %swap3A_421 = arith.constant 32 : index
          %swap3A_422 = tpu.vector_load %arg16[%swap3A_420, %swap3A_421] {strides = array<i32>} : memref<128x64xf32, #tpu.memory_space<vmem>>, vector<16xf32>,
          tpu.vector_store %arg16[%swap3A_420, %swap3A_421], %mul3A_419 {strides = array<i32>} : memref<128x64xf32, #tpu.memory_space<vmem>>, vector<16xf32>,
          %get3A_423 = arith.index_cast %add3A_401 : i32 to index
          %get3A_424 = arith.constant 48 : index
          %get3A_425 = tpu.vector_load %arg16[%get3A_423, %get3A_424] {strides = array<i32>} : memref<128x64xf32, #tpu.memory_space<vmem>>, vector<16xf32>,
          %mul3A_426 = arith.mulf %get3A_425, %gather3A_397 : vector<16xf32>
          %swap3A_427 = arith.index_cast %add3A_401 : i32 to index
          %swap3A_428 = arith.constant 48 : index
          %swap3A_429 = tpu.vector_load %arg16[%swap3A_427, %swap3A_428] {strides = array<i32>} : memref<128x64xf32, #tpu.memory_space<vmem>>, vector<16xf32>,
          tpu.vector_store %arg16[%swap3A_427, %swap3A_428], %mul3A_426 {strides = array<i32>} : memref<128x64xf32, #tpu.memory_space<vmem>>, vector<16xf32>,
          %broadcast_in_dim3A_430 = arith.constant 10 : i32
          %broadcast_in_dim3A_431 = vector.broadcast %broadcast_in_dim3A_430 : i32 to vector<16xi32>
          %reshape3A_432 = vector.shape_cast %broadcast_in_dim3A_431 : vector<16xi32> to vector<16x1xi32>
          %gather3A_433 = vector.shape_cast %reshape3A_432 : vector<16x1xi32> to vector<16xi32>
          %gather3A_434 = tpu.dynamic_gather %get3A_63[%gather3A_433] in [0] : vector<16xf32>, vector<16xi32> -> vector<16xf32>
          %mul3A_435 = arith.constant 16 : i32
          %mul3A_436 = arith.muli %scan3A_58, %mul3A_435 : i32
          %add3A_437 = arith.constant 10 : i32
          %add3A_438 = arith.addi %mul3A_436, %add3A_437 : i32
          %get3A_439 = arith.index_cast %add3A_438 : i32 to index
          %get3A_440 = arith.constant 0 : index
          %get3A_441 = tpu.vector_load %arg16[%get3A_439, %get3A_440] {strides = array<i32>} : memref<128x64xf32, #tpu.memory_space<vmem>>, vector<16xf32>,
          %mul3A_442 = arith.mulf %get3A_441, %gather3A_434 : vector<16xf32>
          %swap3A_443 = arith.index_cast %add3A_438 : i32 to index
          %swap3A_444 = arith.constant 0 : index
          %swap3A_445 = tpu.vector_load %arg16[%swap3A_443, %swap3A_444] {strides = array<i32>} : memref<128x64xf32, #tpu.memory_space<vmem>>, vector<16xf32>,
          tpu.vector_store %arg16[%swap3A_443, %swap3A_444], %mul3A_442 {strides = array<i32>} : memref<128x64xf32, #tpu.memory_space<vmem>>, vector<16xf32>,
          %get3A_446 = arith.index_cast %add3A_438 : i32 to index
          %get3A_447 = arith.constant 16 : index
          %get3A_448 = tpu.vector_load %arg16[%get3A_446, %get3A_447] {strides = array<i32>} : memref<128x64xf32, #tpu.memory_space<vmem>>, vector<16xf32>,
          %mul3A_449 = arith.mulf %get3A_448, %gather3A_434 : vector<16xf32>
          %swap3A_450 = arith.index_cast %add3A_438 : i32 to index
          %swap3A_451 = arith.constant 16 : index
          %swap3A_452 = tpu.vector_load %arg16[%swap3A_450, %swap3A_451] {strides = array<i32>} : memref<128x64xf32, #tpu.memory_space<vmem>>, vector<16xf32>,
          tpu.vector_store %arg16[%swap3A_450, %swap3A_451], %mul3A_449 {strides = array<i32>} : memref<128x64xf32, #tpu.memory_space<vmem>>, vector<16xf32>,
          %get3A_453 = arith.index_cast %add3A_438 : i32 to index
          %get3A_454 = arith.constant 32 : index
          %get3A_455 = tpu.vector_load %arg16[%get3A_453, %get3A_454] {strides = array<i32>} : memref<128x64xf32, #tpu.memory_space<vmem>>, vector<16xf32>,
          %mul3A_456 = arith.mulf %get3A_455, %gather3A_434 : vector<16xf32>
          %swap3A_457 = arith.index_cast %add3A_438 : i32 to index
          %swap3A_458 = arith.constant 32 : index
          %swap3A_459 = tpu.vector_load %arg16[%swap3A_457, %swap3A_458] {strides = array<i32>} : memref<128x64xf32, #tpu.memory_space<vmem>>, vector<16xf32>,
          tpu.vector_store %arg16[%swap3A_457, %swap3A_458], %mul3A_456 {strides = array<i32>} : memref<128x64xf32, #tpu.memory_space<vmem>>, vector<16xf32>,
          %get3A_460 = arith.index_cast %add3A_438 : i32 to index
          %get3A_461 = arith.constant 48 : index
          %get3A_462 = tpu.vector_load %arg16[%get3A_460, %get3A_461] {strides = array<i32>} : memref<128x64xf32, #tpu.memory_space<vmem>>, vector<16xf32>,
          %mul3A_463 = arith.mulf %get3A_462, %gather3A_434 : vector<16xf32>
          %swap3A_464 = arith.index_cast %add3A_438 : i32 to index
          %swap3A_465 = arith.constant 48 : index
          %swap3A_466 = tpu.vector_load %arg16[%swap3A_464, %swap3A_465] {strides = array<i32>} : memref<128x64xf32, #tpu.memory_space<vmem>>, vector<16xf32>,
          tpu.vector_store %arg16[%swap3A_464, %swap3A_465], %mul3A_463 {strides = array<i32>} : memref<128x64xf32, #tpu.memory_space<vmem>>, vector<16xf32>,
          %broadcast_in_dim3A_467 = arith.constant 11 : i32
          %broadcast_in_dim3A_468 = vector.broadcast %broadcast_in_dim3A_467 : i32 to vector<16xi32>
          %reshape3A_469 = vector.shape_cast %broadcast_in_dim3A_468 : vector<16xi32> to vector<16x1xi32>
          %gather3A_470 = vector.shape_cast %reshape3A_469 : vector<16x1xi32> to vector<16xi32>
          %gather3A_471 = tpu.dynamic_gather %get3A_63[%gather3A_470] in [0] : vector<16xf32>, vector<16xi32> -> vector<16xf32>
          %mul3A_472 = arith.constant 16 : i32
          %mul3A_473 = arith.muli %scan3A_58, %mul3A_472 : i32
          %add3A_474 = arith.constant 11 : i32
          %add3A_475 = arith.addi %mul3A_473, %add3A_474 : i32
          %get3A_476 = arith.index_cast %add3A_475 : i32 to index
          %get3A_477 = arith.constant 0 : index
          %get3A_478 = tpu.vector_load %arg16[%get3A_476, %get3A_477] {strides = array<i32>} : memref<128x64xf32, #tpu.memory_space<vmem>>, vector<16xf32>,
          %mul3A_479 = arith.mulf %get3A_478, %gather3A_471 : vector<16xf32>
          %swap3A_480 = arith.index_cast %add3A_475 : i32 to index
          %swap3A_481 = arith.constant 0 : index
          %swap3A_482 = tpu.vector_load %arg16[%swap3A_480, %swap3A_481] {strides = array<i32>} : memref<128x64xf32, #tpu.memory_space<vmem>>, vector<16xf32>,
          tpu.vector_store %arg16[%swap3A_480, %swap3A_481], %mul3A_479 {strides = array<i32>} : memref<128x64xf32, #tpu.memory_space<vmem>>, vector<16xf32>,
          %get3A_483 = arith.index_cast %add3A_475 : i32 to index
          %get3A_484 = arith.constant 16 : index
          %get3A_485 = tpu.vector_load %arg16[%get3A_483, %get3A_484] {strides = array<i32>} : memref<128x64xf32, #tpu.memory_space<vmem>>, vector<16xf32>,
          %mul3A_486 = arith.mulf %get3A_485, %gather3A_471 : vector<16xf32>
          %swap3A_487 = arith.index_cast %add3A_475 : i32 to index
          %swap3A_488 = arith.constant 16 : index
          %swap3A_489 = tpu.vector_load %arg16[%swap3A_487, %swap3A_488] {strides = array<i32>} : memref<128x64xf32, #tpu.memory_space<vmem>>, vector<16xf32>,
          tpu.vector_store %arg16[%swap3A_487, %swap3A_488], %mul3A_486 {strides = array<i32>} : memref<128x64xf32, #tpu.memory_space<vmem>>, vector<16xf32>,
          %get3A_490 = arith.index_cast %add3A_475 : i32 to index
          %get3A_491 = arith.constant 32 : index
          %get3A_492 = tpu.vector_load %arg16[%get3A_490, %get3A_491] {strides = array<i32>} : memref<128x64xf32, #tpu.memory_space<vmem>>, vector<16xf32>,
          %mul3A_493 = arith.mulf %get3A_492, %gather3A_471 : vector<16xf32>
          %swap3A_494 = arith.index_cast %add3A_475 : i32 to index
          %swap3A_495 = arith.constant 32 : index
          %swap3A_496 = tpu.vector_load %arg16[%swap3A_494, %swap3A_495] {strides = array<i32>} : memref<128x64xf32, #tpu.memory_space<vmem>>, vector<16xf32>,
          tpu.vector_store %arg16[%swap3A_494, %swap3A_495], %mul3A_493 {strides = array<i32>} : memref<128x64xf32, #tpu.memory_space<vmem>>, vector<16xf32>,
          %get3A_497 = arith.index_cast %add3A_475 : i32 to index
          %get3A_498 = arith.constant 48 : index
          %get3A_499 = tpu.vector_load %arg16[%get3A_497, %get3A_498] {strides = array<i32>} : memref<128x64xf32, #tpu.memory_space<vmem>>, vector<16xf32>,
          %mul3A_500 = arith.mulf %get3A_499, %gather3A_471 : vector<16xf32>
          %swap3A_501 = arith.index_cast %add3A_475 : i32 to index
          %swap3A_502 = arith.constant 48 : index
          %swap3A_503 = tpu.vector_load %arg16[%swap3A_501, %swap3A_502] {strides = array<i32>} : memref<128x64xf32, #tpu.memory_space<vmem>>, vector<16xf32>,
          tpu.vector_store %arg16[%swap3A_501, %swap3A_502], %mul3A_500 {strides = array<i32>} : memref<128x64xf32, #tpu.memory_space<vmem>>, vector<16xf32>,
          %broadcast_in_dim3A_504 = arith.constant 12 : i32
          %broadcast_in_dim3A_505 = vector.broadcast %broadcast_in_dim3A_504 : i32 to vector<16xi32>
          %reshape3A_506 = vector.shape_cast %broadcast_in_dim3A_505 : vector<16xi32> to vector<16x1xi32>
          %gather3A_507 = vector.shape_cast %reshape3A_506 : vector<16x1xi32> to vector<16xi32>
          %gather3A_508 = tpu.dynamic_gather %get3A_63[%gather3A_507] in [0] : vector<16xf32>, vector<16xi32> -> vector<16xf32>
          %mul3A_509 = arith.constant 16 : i32
          %mul3A_510 = arith.muli %scan3A_58, %mul3A_509 : i32
          %add3A_511 = arith.constant 12 : i32
          %add3A_512 = arith.addi %mul3A_510, %add3A_511 : i32
          %get3A_513 = arith.index_cast %add3A_512 : i32 to index
          %get3A_514 = arith.constant 0 : index
          %get3A_515 = tpu.vector_load %arg16[%get3A_513, %get3A_514] {strides = array<i32>} : memref<128x64xf32, #tpu.memory_space<vmem>>, vector<16xf32>,
          %mul3A_516 = arith.mulf %get3A_515, %gather3A_508 : vector<16xf32>
          %swap3A_517 = arith.index_cast %add3A_512 : i32 to index
          %swap3A_518 = arith.constant 0 : index
          %swap3A_519 = tpu.vector_load %arg16[%swap3A_517, %swap3A_518] {strides = array<i32>} : memref<128x64xf32, #tpu.memory_space<vmem>>, vector<16xf32>,
          tpu.vector_store %arg16[%swap3A_517, %swap3A_518], %mul3A_516 {strides = array<i32>} : memref<128x64xf32, #tpu.memory_space<vmem>>, vector<16xf32>,
          %get3A_520 = arith.index_cast %add3A_512 : i32 to index
          %get3A_521 = arith.constant 16 : index
          %get3A_522 = tpu.vector_load %arg16[%get3A_520, %get3A_521] {strides = array<i32>} : memref<128x64xf32, #tpu.memory_space<vmem>>, vector<16xf32>,
          %mul3A_523 = arith.mulf %get3A_522, %gather3A_508 : vector<16xf32>
          %swap3A_524 = arith.index_cast %add3A_512 : i32 to index
          %swap3A_525 = arith.constant 16 : index
          %swap3A_526 = tpu.vector_load %arg16[%swap3A_524, %swap3A_525] {strides = array<i32>} : memref<128x64xf32, #tpu.memory_space<vmem>>, vector<16xf32>,
          tpu.vector_store %arg16[%swap3A_524, %swap3A_525], %mul3A_523 {strides = array<i32>} : memref<128x64xf32, #tpu.memory_space<vmem>>, vector<16xf32>,
          %get3A_527 = arith.index_cast %add3A_512 : i32 to index
          %get3A_528 = arith.constant 32 : index
          %get3A_529 = tpu.vector_load %arg16[%get3A_527, %get3A_528] {strides = array<i32>} : memref<128x64xf32, #tpu.memory_space<vmem>>, vector<16xf32>,
          %mul3A_530 = arith.mulf %get3A_529, %gather3A_508 : vector<16xf32>
          %swap3A_531 = arith.index_cast %add3A_512 : i32 to index
          %swap3A_532 = arith.constant 32 : index
          %swap3A_533 = tpu.vector_load %arg16[%swap3A_531, %swap3A_532] {strides = array<i32>} : memref<128x64xf32, #tpu.memory_space<vmem>>, vector<16xf32>,
          tpu.vector_store %arg16[%swap3A_531, %swap3A_532], %mul3A_530 {strides = array<i32>} : memref<128x64xf32, #tpu.memory_space<vmem>>, vector<16xf32>,
          %get3A_534 = arith.index_cast %add3A_512 : i32 to index
          %get3A_535 = arith.constant 48 : index
          %get3A_536 = tpu.vector_load %arg16[%get3A_534, %get3A_535] {strides = array<i32>} : memref<128x64xf32, #tpu.memory_space<vmem>>, vector<16xf32>,
          %mul3A_537 = arith.mulf %get3A_536, %gather3A_508 : vector<16xf32>
          %swap3A_538 = arith.index_cast %add3A_512 : i32 to index
          %swap3A_539 = arith.constant 48 : index
          %swap3A_540 = tpu.vector_load %arg16[%swap3A_538, %swap3A_539] {strides = array<i32>} : memref<128x64xf32, #tpu.memory_space<vmem>>, vector<16xf32>,
          tpu.vector_store %arg16[%swap3A_538, %swap3A_539], %mul3A_537 {strides = array<i32>} : memref<128x64xf32, #tpu.memory_space<vmem>>, vector<16xf32>,
          %broadcast_in_dim3A_541 = arith.constant 13 : i32
          %broadcast_in_dim3A_542 = vector.broadcast %broadcast_in_dim3A_541 : i32 to vector<16xi32>
          %reshape3A_543 = vector.shape_cast %broadcast_in_dim3A_542 : vector<16xi32> to vector<16x1xi32>
          %gather3A_544 = vector.shape_cast %reshape3A_543 : vector<16x1xi32> to vector<16xi32>
          %gather3A_545 = tpu.dynamic_gather %get3A_63[%gather3A_544] in [0] : vector<16xf32>, vector<16xi32> -> vector<16xf32>
          %mul3A_546 = arith.constant 16 : i32
          %mul3A_547 = arith.muli %scan3A_58, %mul3A_546 : i32
          %add3A_548 = arith.constant 13 : i32
          %add3A_549 = arith.addi %mul3A_547, %add3A_548 : i32
          %get3A_550 = arith.index_cast %add3A_549 : i32 to index
          %get3A_551 = arith.constant 0 : index
          %get3A_552 = tpu.vector_load %arg16[%get3A_550, %get3A_551] {strides = array<i32>} : memref<128x64xf32, #tpu.memory_space<vmem>>, vector<16xf32>,
          %mul3A_553 = arith.mulf %get3A_552, %gather3A_545 : vector<16xf32>
          %swap3A_554 = arith.index_cast %add3A_549 : i32 to index
          %swap3A_555 = arith.constant 0 : index
          %swap3A_556 = tpu.vector_load %arg16[%swap3A_554, %swap3A_555] {strides = array<i32>} : memref<128x64xf32, #tpu.memory_space<vmem>>, vector<16xf32>,
          tpu.vector_store %arg16[%swap3A_554, %swap3A_555], %mul3A_553 {strides = array<i32>} : memref<128x64xf32, #tpu.memory_space<vmem>>, vector<16xf32>,
          %get3A_557 = arith.index_cast %add3A_549 : i32 to index
          %get3A_558 = arith.constant 16 : index
          %get3A_559 = tpu.vector_load %arg16[%get3A_557, %get3A_558] {strides = array<i32>} : memref<128x64xf32, #tpu.memory_space<vmem>>, vector<16xf32>,
          %mul3A_560 = arith.mulf %get3A_559, %gather3A_545 : vector<16xf32>
          %swap3A_561 = arith.index_cast %add3A_549 : i32 to index
          %swap3A_562 = arith.constant 16 : index
          %swap3A_563 = tpu.vector_load %arg16[%swap3A_561, %swap3A_562] {strides = array<i32>} : memref<128x64xf32, #tpu.memory_space<vmem>>, vector<16xf32>,
          tpu.vector_store %arg16[%swap3A_561, %swap3A_562], %mul3A_560 {strides = array<i32>} : memref<128x64xf32, #tpu.memory_space<vmem>>, vector<16xf32>,
          %get3A_564 = arith.index_cast %add3A_549 : i32 to index
          %get3A_565 = arith.constant 32 : index
          %get3A_566 = tpu.vector_load %arg16[%get3A_564, %get3A_565] {strides = array<i32>} : memref<128x64xf32, #tpu.memory_space<vmem>>, vector<16xf32>,
          %mul3A_567 = arith.mulf %get3A_566, %gather3A_545 : vector<16xf32>
          %swap3A_568 = arith.index_cast %add3A_549 : i32 to index
          %swap3A_569 = arith.constant 32 : index
          %swap3A_570 = tpu.vector_load %arg16[%swap3A_568, %swap3A_569] {strides = array<i32>} : memref<128x64xf32, #tpu.memory_space<vmem>>, vector<16xf32>,
          tpu.vector_store %arg16[%swap3A_568, %swap3A_569], %mul3A_567 {strides = array<i32>} : memref<128x64xf32, #tpu.memory_space<vmem>>, vector<16xf32>,
          %get3A_571 = arith.index_cast %add3A_549 : i32 to index
          %get3A_572 = arith.constant 48 : index
          %get3A_573 = tpu.vector_load %arg16[%get3A_571, %get3A_572] {strides = array<i32>} : memref<128x64xf32, #tpu.memory_space<vmem>>, vector<16xf32>,
          %mul3A_574 = arith.mulf %get3A_573, %gather3A_545 : vector<16xf32>
          %swap3A_575 = arith.index_cast %add3A_549 : i32 to index
          %swap3A_576 = arith.constant 48 : index
          %swap3A_577 = tpu.vector_load %arg16[%swap3A_575, %swap3A_576] {strides = array<i32>} : memref<128x64xf32, #tpu.memory_space<vmem>>, vector<16xf32>,
          tpu.vector_store %arg16[%swap3A_575, %swap3A_576], %mul3A_574 {strides = array<i32>} : memref<128x64xf32, #tpu.memory_space<vmem>>, vector<16xf32>,
          %broadcast_in_dim3A_578 = arith.constant 14 : i32
          %broadcast_in_dim3A_579 = vector.broadcast %broadcast_in_dim3A_578 : i32 to vector<16xi32>
          %reshape3A_580 = vector.shape_cast %broadcast_in_dim3A_579 : vector<16xi32> to vector<16x1xi32>
          %gather3A_581 = vector.shape_cast %reshape3A_580 : vector<16x1xi32> to vector<16xi32>
          %gather3A_582 = tpu.dynamic_gather %get3A_63[%gather3A_581] in [0] : vector<16xf32>, vector<16xi32> -> vector<16xf32>
          %mul3A_583 = arith.constant 16 : i32
          %mul3A_584 = arith.muli %scan3A_58, %mul3A_583 : i32
          %add3A_585 = arith.constant 14 : i32
          %add3A_586 = arith.addi %mul3A_584, %add3A_585 : i32
          %get3A_587 = arith.index_cast %add3A_586 : i32 to index
          %get3A_588 = arith.constant 0 : index
          %get3A_589 = tpu.vector_load %arg16[%get3A_587, %get3A_588] {strides = array<i32>} : memref<128x64xf32, #tpu.memory_space<vmem>>, vector<16xf32>,
          %mul3A_590 = arith.mulf %get3A_589, %gather3A_582 : vector<16xf32>
          %swap3A_591 = arith.index_cast %add3A_586 : i32 to index
          %swap3A_592 = arith.constant 0 : index
          %swap3A_593 = tpu.vector_load %arg16[%swap3A_591, %swap3A_592] {strides = array<i32>} : memref<128x64xf32, #tpu.memory_space<vmem>>, vector<16xf32>,
          tpu.vector_store %arg16[%swap3A_591, %swap3A_592], %mul3A_590 {strides = array<i32>} : memref<128x64xf32, #tpu.memory_space<vmem>>, vector<16xf32>,
          %get3A_594 = arith.index_cast %add3A_586 : i32 to index
          %get3A_595 = arith.constant 16 : index
          %get3A_596 = tpu.vector_load %arg16[%get3A_594, %get3A_595] {strides = array<i32>} : memref<128x64xf32, #tpu.memory_space<vmem>>, vector<16xf32>,
          %mul3A_597 = arith.mulf %get3A_596, %gather3A_582 : vector<16xf32>
          %swap3A_598 = arith.index_cast %add3A_586 : i32 to index
          %swap3A_599 = arith.constant 16 : index
          %swap3A_600 = tpu.vector_load %arg16[%swap3A_598, %swap3A_599] {strides = array<i32>} : memref<128x64xf32, #tpu.memory_space<vmem>>, vector<16xf32>,
          tpu.vector_store %arg16[%swap3A_598, %swap3A_599], %mul3A_597 {strides = array<i32>} : memref<128x64xf32, #tpu.memory_space<vmem>>, vector<16xf32>,
          %get3A_601 = arith.index_cast %add3A_586 : i32 to index
          %get3A_602 = arith.constant 32 : index
          %get3A_603 = tpu.vector_load %arg16[%get3A_601, %get3A_602] {strides = array<i32>} : memref<128x64xf32, #tpu.memory_space<vmem>>, vector<16xf32>,
          %mul3A_604 = arith.mulf %get3A_603, %gather3A_582 : vector<16xf32>
          %swap3A_605 = arith.index_cast %add3A_586 : i32 to index
          %swap3A_606 = arith.constant 32 : index
          %swap3A_607 = tpu.vector_load %arg16[%swap3A_605, %swap3A_606] {strides = array<i32>} : memref<128x64xf32, #tpu.memory_space<vmem>>, vector<16xf32>,
          tpu.vector_store %arg16[%swap3A_605, %swap3A_606], %mul3A_604 {strides = array<i32>} : memref<128x64xf32, #tpu.memory_space<vmem>>, vector<16xf32>,
          %get3A_608 = arith.index_cast %add3A_586 : i32 to index
          %get3A_609 = arith.constant 48 : index
          %get3A_610 = tpu.vector_load %arg16[%get3A_608, %get3A_609] {strides = array<i32>} : memref<128x64xf32, #tpu.memory_space<vmem>>, vector<16xf32>,
          %mul3A_611 = arith.mulf %get3A_610, %gather3A_582 : vector<16xf32>
          %swap3A_612 = arith.index_cast %add3A_586 : i32 to index
          %swap3A_613 = arith.constant 48 : index
          %swap3A_614 = tpu.vector_load %arg16[%swap3A_612, %swap3A_613] {strides = array<i32>} : memref<128x64xf32, #tpu.memory_space<vmem>>, vector<16xf32>,
          tpu.vector_store %arg16[%swap3A_612, %swap3A_613], %mul3A_611 {strides = array<i32>} : memref<128x64xf32, #tpu.memory_space<vmem>>, vector<16xf32>,
          %broadcast_in_dim3A_615 = arith.constant 15 : i32
          %broadcast_in_dim3A_616 = vector.broadcast %broadcast_in_dim3A_615 : i32 to vector<16xi32>
          %reshape3A_617 = vector.shape_cast %broadcast_in_dim3A_616 : vector<16xi32> to vector<16x1xi32>
          %gather3A_618 = vector.shape_cast %reshape3A_617 : vector<16x1xi32> to vector<16xi32>
          %gather3A_619 = tpu.dynamic_gather %get3A_63[%gather3A_618] in [0] : vector<16xf32>, vector<16xi32> -> vector<16xf32>
          %mul3A_620 = arith.constant 16 : i32
          %mul3A_621 = arith.muli %scan3A_58, %mul3A_620 : i32
          %add3A_622 = arith.constant 15 : i32
          %add3A_623 = arith.addi %mul3A_621, %add3A_622 : i32
          %get3A_624 = arith.index_cast %add3A_623 : i32 to index
          %get3A_625 = arith.constant 0 : index
          %get3A_626 = tpu.vector_load %arg16[%get3A_624, %get3A_625] {strides = array<i32>} : memref<128x64xf32, #tpu.memory_space<vmem>>, vector<16xf32>,
          %mul3A_627 = arith.mulf %get3A_626, %gather3A_619 : vector<16xf32>
          %swap3A_628 = arith.index_cast %add3A_623 : i32 to index
          %swap3A_629 = arith.constant 0 : index
          %swap3A_630 = tpu.vector_load %arg16[%swap3A_628, %swap3A_629] {strides = array<i32>} : memref<128x64xf32, #tpu.memory_space<vmem>>, vector<16xf32>,
          tpu.vector_store %arg16[%swap3A_628, %swap3A_629], %mul3A_627 {strides = array<i32>} : memref<128x64xf32, #tpu.memory_space<vmem>>, vector<16xf32>,
          %get3A_631 = arith.index_cast %add3A_623 : i32 to index
          %get3A_632 = arith.constant 16 : index
          %get3A_633 = tpu.vector_load %arg16[%get3A_631, %get3A_632] {strides = array<i32>} : memref<128x64xf32, #tpu.memory_space<vmem>>, vector<16xf32>,
          %mul3A_634 = arith.mulf %get3A_633, %gather3A_619 : vector<16xf32>
          %swap3A_635 = arith.index_cast %add3A_623 : i32 to index
          %swap3A_636 = arith.constant 16 : index
          %swap3A_637 = tpu.vector_load %arg16[%swap3A_635, %swap3A_636] {strides = array<i32>} : memref<128x64xf32, #tpu.memory_space<vmem>>, vector<16xf32>,
          tpu.vector_store %arg16[%swap3A_635, %swap3A_636], %mul3A_634 {strides = array<i32>} : memref<128x64xf32, #tpu.memory_space<vmem>>, vector<16xf32>,
          %get3A_638 = arith.index_cast %add3A_623 : i32 to index
          %get3A_639 = arith.constant 32 : index
          %get3A_640 = tpu.vector_load %arg16[%get3A_638, %get3A_639] {strides = array<i32>} : memref<128x64xf32, #tpu.memory_space<vmem>>, vector<16xf32>,
          %mul3A_641 = arith.mulf %get3A_640, %gather3A_619 : vector<16xf32>
          %swap3A_642 = arith.index_cast %add3A_623 : i32 to index
          %swap3A_643 = arith.constant 32 : index
          %swap3A_644 = tpu.vector_load %arg16[%swap3A_642, %swap3A_643] {strides = array<i32>} : memref<128x64xf32, #tpu.memory_space<vmem>>, vector<16xf32>,
          tpu.vector_store %arg16[%swap3A_642, %swap3A_643], %mul3A_641 {strides = array<i32>} : memref<128x64xf32, #tpu.memory_space<vmem>>, vector<16xf32>,
          %get3A_645 = arith.index_cast %add3A_623 : i32 to index
          %get3A_646 = arith.constant 48 : index
          %get3A_647 = tpu.vector_load %arg16[%get3A_645, %get3A_646] {strides = array<i32>} : memref<128x64xf32, #tpu.memory_space<vmem>>, vector<16xf32>,
          %mul3A_648 = arith.mulf %get3A_647, %gather3A_619 : vector<16xf32>
          %swap3A_649 = arith.index_cast %add3A_623 : i32 to index
          %swap3A_650 = arith.constant 48 : index
          %swap3A_651 = tpu.vector_load %arg16[%swap3A_649, %swap3A_650] {strides = array<i32>} : memref<128x64xf32, #tpu.memory_space<vmem>>, vector<16xf32>,
          tpu.vector_store %arg16[%swap3A_649, %swap3A_650], %mul3A_648 {strides = array<i32>} : memref<128x64xf32, #tpu.memory_space<vmem>>, vector<16xf32>,
          %scan3A_652 = arith.constant 0 : i32
          scf.yield %scan3A_652 : i32
        }
        %scan3A_56 = arith.constant 8 : i32
        "tpu.region"() ({
          %run_scoped3A = tpu.sem_alloc : memref<!tpu.dma_semaphore, #tpu.memory_space<semaphore_mem>>
          %dma_start3A = arith.constant 0 : i32
          %dma_start3A_58 = tpu.memref_slice %arg12[%scan3A_48, %dma_start3A] : memref<40x128xi32, #tpu.memory_space<vmem>> -> memref<1x128xi32, #tpu.memory_space<vmem>>
          %dma_start3A_59 = tpu.memref_squeeze %dma_start3A_58 : memref<1x128xi32, #tpu.memory_space<vmem>> -> memref<128xi32, #tpu.memory_space<vmem>>
          %dma_start3A_60 = arith.constant 0 : i32
          %dma_start3A_61 = arith.constant 0 : i32
          %dma_start3A_62 = tpu.memref_slice %arg17[%dma_start3A_60, %dma_start3A_61] : memref<10240x64xf32, #tpu.memory_space<vmem_shared>> -> memref<10240x64xf32, #tpu.memory_space<vmem_shared>>
          tpu.enqueue_indirect_dma source(%arg16 : memref<128x64xf32, #tpu.memory_space<vmem>>) target(%dma_start3A_62 : memref<10240x64xf32, #tpu.memory_space<vmem_shared>>) offsets(%dma_start3A_59 : memref<128xi32, #tpu.memory_space<vmem>>) semaphore(%run_scoped3A : memref<!tpu.dma_semaphore, #tpu.memory_space<semaphore_mem>>) {add = true}
          %dma_wait3A = arith.constant 0 : i32
          %dma_wait3A_63 = tpu.memref_slice %arg12[%scan3A_48, %dma_wait3A] : memref<40x128xi32, #tpu.memory_space<vmem>> -> memref<1x128xi32, #tpu.memory_space<vmem>>
          %dma_wait3A_64 = tpu.memref_squeeze %dma_wait3A_63 : memref<1x128xi32, #tpu.memory_space<vmem>> -> memref<128xi32, #tpu.memory_space<vmem>>
          %dma_wait3A_65 = arith.constant 0 : i32
          %dma_wait3A_66 = arith.constant 0 : i32
          %dma_wait3A_67 = tpu.memref_slice %arg17[%dma_wait3A_65, %dma_wait3A_66] : memref<10240x64xf32, #tpu.memory_space<vmem_shared>> -> memref<10240x64xf32, #tpu.memory_space<vmem_shared>>
          tpu.wait_indirect_dma semaphore(%run_scoped3A : memref<!tpu.dma_semaphore, #tpu.memory_space<semaphore_mem>>) src(%arg16 : memref<128x64xf32, #tpu.memory_space<vmem>>) dst(%dma_wait3A_67 : memref<10240x64xf32, #tpu.memory_space<vmem_shared>>)
          tpu.yield
        }) : () -> ()
        %scan3A_57 = arith.constant 0 : i32
        scf.yield %scan3A_57 : i32
      }
      %scan3A_46 = arith.constant 40 : i32
      %scan3A_47 = arith.constant 0 : i32
      scf.yield %scan3A_47 : i32
    }
    %scan3A_20 = arith.constant 20 : i32
    %barrier3A_21 = arith.constant 0 : index
    tpu.barrier barrier_id(%barrier3A_21)
    %scan3A_22 = arith.constant 0 : i32
    %scan3A_23 = arith.constant 0 : i32
    %scan3A_24 = arith.constant 5 : i32
    %scan3A_25 = arith.addi %scan3A_23, %scan3A_24 : i32
    %scan3A_26 = arith.constant 1 : i32
    %scan3A_27 = scf.for %scan3A_29 = %scan3A_23 to %scan3A_25 step %scan3A_26 iter_args(%scan3A_30 = %scan3A_22) -> (i32)  : i32 {
      %mul3A_31 = arith.constant 640 : i32
      %mul3A_32 = arith.muli %arg1, %mul3A_31 : i32
      %mul3A_33 = arith.constant 128 : i32
      %mul3A_34 = arith.muli %scan3A_29, %mul3A_33 : i32
      %add3A = arith.addi %mul3A_32, %mul3A_34 : i32
      %mul3A_35 = arith.constant 640 : i32
      %mul3A_36 = arith.muli %arg1, %mul3A_35 : i32
      %mul3A_37 = arith.constant 128 : i32
      %mul3A_38 = arith.muli %scan3A_29, %mul3A_37 : i32
      %add3A_39 = arith.addi %mul3A_36, %mul3A_38 : i32
      "tpu.region"() ({
        %run_scoped3A = tpu.sem_alloc : memref<!tpu.dma_semaphore, #tpu.memory_space<semaphore_mem>>
        %dma_start3A = arith.constant 0 : i32
        %dma_start3A_41 = tpu.memref_slice %arg9[%arg0, %add3A_39, %dma_start3A] : memref<2x10240x64xf32, #tpu.memory_space<hbm>> -> memref<1x128x64xf32, #tpu.memory_space<hbm>>
        %dma_start3A_42 = tpu.memref_squeeze %dma_start3A_41 : memref<1x128x64xf32, #tpu.memory_space<hbm>> -> memref<128x64xf32, #tpu.memory_space<hbm>>
        %dma_start3A_43 = arith.constant 0 : i32
        %dma_start3A_44 = tpu.memref_slice %arg17[%add3A, %dma_start3A_43] : memref<10240x64xf32, #tpu.memory_space<vmem_shared>> -> memref<128x64xf32, #tpu.memory_space<vmem_shared>>
        tpu.enqueue_dma source(%dma_start3A_44 : memref<128x64xf32, #tpu.memory_space<vmem_shared>>) target(%dma_start3A_42 : memref<128x64xf32, #tpu.memory_space<hbm>>) target_semaphore(%run_scoped3A : memref<!tpu.dma_semaphore, #tpu.memory_space<semaphore_mem>>)
        %dma_wait3A = arith.constant 0 : i32
        %dma_wait3A_45 = tpu.memref_slice %arg9[%arg0, %add3A_39, %dma_wait3A] : memref<2x10240x64xf32, #tpu.memory_space<hbm>> -> memref<1x128x64xf32, #tpu.memory_space<hbm>>
        %dma_wait3A_46 = tpu.memref_squeeze %dma_wait3A_45 : memref<1x128x64xf32, #tpu.memory_space<hbm>> -> memref<128x64xf32, #tpu.memory_space<hbm>>
        %dma_wait3A_47 = arith.constant 0 : i32
        %dma_wait3A_48 = tpu.memref_slice %arg17[%add3A, %dma_wait3A_47] : memref<10240x64xf32, #tpu.memory_space<vmem_shared>> -> memref<128x64xf32, #tpu.memory_space<vmem_shared>>
        tpu.wait_dma2 semaphore(%run_scoped3A : memref<!tpu.dma_semaphore, #tpu.memory_space<semaphore_mem>>) src(%dma_wait3A_48 : memref<128x64xf32, #tpu.memory_space<vmem_shared>>) dst(%dma_wait3A_46 : memref<128x64xf32, #tpu.memory_space<hbm>>)
        tpu.yield
      }) : () -> ()
      %scan3A_40 = arith.constant 0 : i32
      scf.yield %scan3A_40 : i32
    }
    %scan3A_28 = arith.constant 5 : i32
    return
  }
}

#map = affine_map<(d0, d1) -> (0, 0)>
module attributes {stable_mosaic.version = 14 : i64} {
  func.func @_deg_body(%arg0: i32, %arg1: i32, %arg2: memref<7680x128xi32, #tpu.memory_space<hbm>>, %arg3: memref<7680x128xf32, #tpu.memory_space<hbm>>, %arg4: memref<2x30720xf32, #tpu.memory_space<hbm>>, %arg5: memref<24x128xi32, #tpu.memory_space<vmem>>, %arg6: memref<24x128xf32, #tpu.memory_space<vmem>>, %arg7: memref<1920xf32, #tpu.memory_space<vmem>>, %arg8: memref<30720xf32, #tpu.memory_space<vmem_shared>>) attributes {dimension_semantics = [#tpu.dimension_semantics<core_parallel>, #tpu.dimension_semantics<subcore_parallel>], iteration_bounds = array<i64: 2, 16>, scalar_prefetch = 0 : i64, scratch_operands = 4 : i64, tpu.core_type = #tpu.core_type<sc_vector_subcore>, window_params = [{transform_indices = #map}, {transform_indices = #map}, {transform_indices = #map}]} {
    %scan3A = arith.constant 0 : i32
    %scan3A_0 = arith.constant 0 : i32
    %scan3A_1 = arith.constant 120 : i32
    %scan3A_2 = arith.addi %scan3A_0, %scan3A_1 : i32
    %scan3A_3 = arith.constant 1 : i32
    %scan3A_4 = scf.for %scan3A_23 = %scan3A_0 to %scan3A_2 step %scan3A_3 iter_args(%scan3A_24 = %scan3A) -> (i32)  : i32 {
      %broadcast_in_dim3A = arith.constant 0.000000e+00 : f32
      %broadcast_in_dim3A_25 = vector.broadcast %broadcast_in_dim3A : f32 to vector<16xf32>
      %mul3A_26 = arith.constant 16 : i32
      %mul3A_27 = arith.muli %scan3A_23, %mul3A_26 : i32
      %swap3A = arith.index_cast %mul3A_27 : i32 to index
      %swap3A_28 = tpu.vector_load %arg7[%swap3A] {strides = array<i32>} : memref<1920xf32, #tpu.memory_space<vmem>>, vector<16xf32>,
      tpu.vector_store %arg7[%swap3A], %broadcast_in_dim3A_25 {strides = array<i32>} : memref<1920xf32, #tpu.memory_space<vmem>>, vector<16xf32>,
      %scan3A_29 = arith.constant 0 : i32
      scf.yield %scan3A_29 : i32
    }
    %scan3A_5 = arith.constant 120 : i32
    %mul3A = arith.constant 1920 : i32
    %mul3A_6 = arith.muli %arg1, %mul3A : i32
    "tpu.region"() ({
      %run_scoped3A = tpu.sem_alloc : memref<!tpu.dma_semaphore, #tpu.memory_space<semaphore_mem>>
      %dma_start3A = tpu.memref_slice %arg8[%mul3A_6] : memref<30720xf32, #tpu.memory_space<vmem_shared>> -> memref<1920xf32, #tpu.memory_space<vmem_shared>>
      %dma_start3A_23 = tpu.memref_slice %arg8[%mul3A_6] : memref<30720xf32, #tpu.memory_space<vmem_shared>> -> memref<1920xf32, #tpu.memory_space<vmem_shared>>
      tpu.enqueue_dma source(%arg7 : memref<1920xf32, #tpu.memory_space<vmem>>) target(%dma_start3A_23 : memref<1920xf32, #tpu.memory_space<vmem_shared>>) target_semaphore(%run_scoped3A : memref<!tpu.dma_semaphore, #tpu.memory_space<semaphore_mem>>)
      %dma_wait3A = tpu.memref_slice %arg8[%mul3A_6] : memref<30720xf32, #tpu.memory_space<vmem_shared>> -> memref<1920xf32, #tpu.memory_space<vmem_shared>>
      %dma_wait3A_24 = tpu.memref_slice %arg8[%mul3A_6] : memref<30720xf32, #tpu.memory_space<vmem_shared>> -> memref<1920xf32, #tpu.memory_space<vmem_shared>>
      tpu.wait_dma2 semaphore(%run_scoped3A : memref<!tpu.dma_semaphore, #tpu.memory_space<semaphore_mem>>) src(%arg7 : memref<1920xf32, #tpu.memory_space<vmem>>) dst(%dma_wait3A_24 : memref<1920xf32, #tpu.memory_space<vmem_shared>>)
      tpu.yield
    }) : () -> ()
    %barrier3A = arith.constant 0 : index
    tpu.barrier barrier_id(%barrier3A)
    %mul3A_7 = arith.constant 16 : i32
    %mul3A_8 = arith.muli %arg0, %mul3A_7 : i32
    %add3A = arith.addi %mul3A_8, %arg1 : i32
    %mul3A_9 = arith.constant 240 : i32
    %mul3A_10 = arith.muli %add3A, %mul3A_9 : i32
    %scan3A_11 = arith.constant 0 : i32
    %scan3A_12 = arith.constant 0 : i32
    %scan3A_13 = arith.constant 10 : i32
    %scan3A_14 = arith.addi %scan3A_12, %scan3A_13 : i32
    %scan3A_15 = arith.constant 1 : i32
    %scan3A_16 = scf.for %scan3A_23 = %scan3A_12 to %scan3A_14 step %scan3A_15 iter_args(%scan3A_24 = %scan3A_11) -> (i32)  : i32 {
      %mul3A_25 = arith.constant 24 : i32
      %mul3A_26 = arith.muli %scan3A_23, %mul3A_25 : i32
      %add3A_27 = arith.addi %mul3A_10, %mul3A_26 : i32
      "tpu.region"() ({
        %run_scoped3A = tpu.sem_alloc : memref<!tpu.dma_semaphore, #tpu.memory_space<semaphore_mem>>
        %dma_start3A = arith.constant 0 : i32
        %dma_start3A_36 = tpu.memref_slice %arg2[%add3A_27, %dma_start3A] : memref<7680x128xi32, #tpu.memory_space<hbm>> -> memref<24x128xi32, #tpu.memory_space<hbm>>
        %dma_start3A_37 = arith.constant 0 : i32
        %dma_start3A_38 = tpu.memref_slice %arg2[%add3A_27, %dma_start3A_37] : memref<7680x128xi32, #tpu.memory_space<hbm>> -> memref<24x128xi32, #tpu.memory_space<hbm>>
        tpu.enqueue_dma source(%dma_start3A_38 : memref<24x128xi32, #tpu.memory_space<hbm>>) target(%arg5 : memref<24x128xi32, #tpu.memory_space<vmem>>) target_semaphore(%run_scoped3A : memref<!tpu.dma_semaphore, #tpu.memory_space<semaphore_mem>>)
        %dma_wait3A = arith.constant 0 : i32
        %dma_wait3A_39 = tpu.memref_slice %arg2[%add3A_27, %dma_wait3A] : memref<7680x128xi32, #tpu.memory_space<hbm>> -> memref<24x128xi32, #tpu.memory_space<hbm>>
        %dma_wait3A_40 = arith.constant 0 : i32
        %dma_wait3A_41 = tpu.memref_slice %arg2[%add3A_27, %dma_wait3A_40] : memref<7680x128xi32, #tpu.memory_space<hbm>> -> memref<24x128xi32, #tpu.memory_space<hbm>>
        tpu.wait_dma2 semaphore(%run_scoped3A : memref<!tpu.dma_semaphore, #tpu.memory_space<semaphore_mem>>) src(%dma_wait3A_41 : memref<24x128xi32, #tpu.memory_space<hbm>>) dst(%arg5 : memref<24x128xi32, #tpu.memory_space<vmem>>)
        tpu.yield
      }) : () -> ()
      "tpu.region"() ({
        %run_scoped3A = tpu.sem_alloc : memref<!tpu.dma_semaphore, #tpu.memory_space<semaphore_mem>>
        %dma_start3A = arith.constant 0 : i32
        %dma_start3A_36 = tpu.memref_slice %arg3[%add3A_27, %dma_start3A] : memref<7680x128xf32, #tpu.memory_space<hbm>> -> memref<24x128xf32, #tpu.memory_space<hbm>>
        %dma_start3A_37 = arith.constant 0 : i32
        %dma_start3A_38 = tpu.memref_slice %arg3[%add3A_27, %dma_start3A_37] : memref<7680x128xf32, #tpu.memory_space<hbm>> -> memref<24x128xf32, #tpu.memory_space<hbm>>
        tpu.enqueue_dma source(%dma_start3A_38 : memref<24x128xf32, #tpu.memory_space<hbm>>) target(%arg6 : memref<24x128xf32, #tpu.memory_space<vmem>>) target_semaphore(%run_scoped3A : memref<!tpu.dma_semaphore, #tpu.memory_space<semaphore_mem>>)
        %dma_wait3A = arith.constant 0 : i32
        %dma_wait3A_39 = tpu.memref_slice %arg3[%add3A_27, %dma_wait3A] : memref<7680x128xf32, #tpu.memory_space<hbm>> -> memref<24x128xf32, #tpu.memory_space<hbm>>
        %dma_wait3A_40 = arith.constant 0 : i32
        %dma_wait3A_41 = tpu.memref_slice %arg3[%add3A_27, %dma_wait3A_40] : memref<7680x128xf32, #tpu.memory_space<hbm>> -> memref<24x128xf32, #tpu.memory_space<hbm>>
        tpu.wait_dma2 semaphore(%run_scoped3A : memref<!tpu.dma_semaphore, #tpu.memory_space<semaphore_mem>>) src(%dma_wait3A_41 : memref<24x128xf32, #tpu.memory_space<hbm>>) dst(%arg6 : memref<24x128xf32, #tpu.memory_space<vmem>>)
        tpu.yield
      }) : () -> ()
      %scan3A_28 = arith.constant 0 : i32
      %scan3A_29 = arith.constant 0 : i32
      %scan3A_30 = arith.constant 24 : i32
      %scan3A_31 = arith.addi %scan3A_29, %scan3A_30 : i32
      %scan3A_32 = arith.constant 1 : i32
      %scan3A_33 = scf.for %scan3A_36 = %scan3A_29 to %scan3A_31 step %scan3A_32 iter_args(%scan3A_37 = %scan3A_28) -> (i32)  : i32 {
        "tpu.region"() ({
          %run_scoped3A = tpu.sem_alloc : memref<!tpu.dma_semaphore, #tpu.memory_space<semaphore_mem>>
          %dma_start3A = arith.constant 0 : i32
          %dma_start3A_39 = tpu.memref_slice %arg6[%scan3A_36, %dma_start3A] : memref<24x128xf32, #tpu.memory_space<vmem>> -> memref<1x128xf32, #tpu.memory_space<vmem>>
          %dma_start3A_40 = tpu.memref_squeeze %dma_start3A_39 : memref<1x128xf32, #tpu.memory_space<vmem>> -> memref<128xf32, #tpu.memory_space<vmem>>
          %dma_start3A_41 = arith.constant 0 : i32
          %dma_start3A_42 = tpu.memref_slice %arg5[%scan3A_36, %dma_start3A_41] : memref<24x128xi32, #tpu.memory_space<vmem>> -> memref<1x128xi32, #tpu.memory_space<vmem>>
          %dma_start3A_43 = tpu.memref_squeeze %dma_start3A_42 : memref<1x128xi32, #tpu.memory_space<vmem>> -> memref<128xi32, #tpu.memory_space<vmem>>
          %dma_start3A_44 = arith.constant 0 : i32
          %dma_start3A_45 = tpu.memref_slice %arg8[%dma_start3A_44] : memref<30720xf32, #tpu.memory_space<vmem_shared>> -> memref<30720xf32, #tpu.memory_space<vmem_shared>>
          tpu.enqueue_indirect_dma source(%dma_start3A_40 : memref<128xf32, #tpu.memory_space<vmem>>) target(%dma_start3A_45 : memref<30720xf32, #tpu.memory_space<vmem_shared>>) offsets(%dma_start3A_43 : memref<128xi32, #tpu.memory_space<vmem>>) semaphore(%run_scoped3A : memref<!tpu.dma_semaphore, #tpu.memory_space<semaphore_mem>>) {add = true}
          %dma_wait3A = arith.constant 0 : i32
          %dma_wait3A_46 = tpu.memref_slice %arg6[%scan3A_36, %dma_wait3A] : memref<24x128xf32, #tpu.memory_space<vmem>> -> memref<1x128xf32, #tpu.memory_space<vmem>>
          %dma_wait3A_47 = tpu.memref_squeeze %dma_wait3A_46 : memref<1x128xf32, #tpu.memory_space<vmem>> -> memref<128xf32, #tpu.memory_space<vmem>>
          %dma_wait3A_48 = arith.constant 0 : i32
          %dma_wait3A_49 = tpu.memref_slice %arg5[%scan3A_36, %dma_wait3A_48] : memref<24x128xi32, #tpu.memory_space<vmem>> -> memref<1x128xi32, #tpu.memory_space<vmem>>
          %dma_wait3A_50 = tpu.memref_squeeze %dma_wait3A_49 : memref<1x128xi32, #tpu.memory_space<vmem>> -> memref<128xi32, #tpu.memory_space<vmem>>
          %dma_wait3A_51 = arith.constant 0 : i32
          %dma_wait3A_52 = tpu.memref_slice %arg8[%dma_wait3A_51] : memref<30720xf32, #tpu.memory_space<vmem_shared>> -> memref<30720xf32, #tpu.memory_space<vmem_shared>>
          tpu.wait_indirect_dma semaphore(%run_scoped3A : memref<!tpu.dma_semaphore, #tpu.memory_space<semaphore_mem>>) src(%dma_wait3A_47 : memref<128xf32, #tpu.memory_space<vmem>>) dst(%dma_wait3A_52 : memref<30720xf32, #tpu.memory_space<vmem_shared>>)
          tpu.yield
        }) : () -> ()
        %scan3A_38 = arith.constant 0 : i32
        scf.yield %scan3A_38 : i32
      }
      %scan3A_34 = arith.constant 24 : i32
      %scan3A_35 = arith.constant 0 : i32
      scf.yield %scan3A_35 : i32
    }
    %scan3A_17 = arith.constant 10 : i32
    %barrier3A_18 = arith.constant 0 : index
    tpu.barrier barrier_id(%barrier3A_18)
    %mul3A_19 = arith.constant 1920 : i32
    %mul3A_20 = arith.muli %arg1, %mul3A_19 : i32
    %mul3A_21 = arith.constant 1920 : i32
    %mul3A_22 = arith.muli %arg1, %mul3A_21 : i32
    "tpu.region"() ({
      %run_scoped3A = tpu.sem_alloc : memref<!tpu.dma_semaphore, #tpu.memory_space<semaphore_mem>>
      %dma_start3A = tpu.memref_slice %arg4[%arg0, %mul3A_22] : memref<2x30720xf32, #tpu.memory_space<hbm>> -> memref<1x1920xf32, #tpu.memory_space<hbm>>
      %dma_start3A_23 = tpu.memref_squeeze %dma_start3A : memref<1x1920xf32, #tpu.memory_space<hbm>> -> memref<1920xf32, #tpu.memory_space<hbm>>
      %dma_start3A_24 = tpu.memref_slice %arg8[%mul3A_20] : memref<30720xf32, #tpu.memory_space<vmem_shared>> -> memref<1920xf32, #tpu.memory_space<vmem_shared>>
      tpu.enqueue_dma source(%dma_start3A_24 : memref<1920xf32, #tpu.memory_space<vmem_shared>>) target(%dma_start3A_23 : memref<1920xf32, #tpu.memory_space<hbm>>) target_semaphore(%run_scoped3A : memref<!tpu.dma_semaphore, #tpu.memory_space<semaphore_mem>>)
      %dma_wait3A = tpu.memref_slice %arg4[%arg0, %mul3A_22] : memref<2x30720xf32, #tpu.memory_space<hbm>> -> memref<1x1920xf32, #tpu.memory_space<hbm>>
      %dma_wait3A_25 = tpu.memref_squeeze %dma_wait3A : memref<1x1920xf32, #tpu.memory_space<hbm>> -> memref<1920xf32, #tpu.memory_space<hbm>>
      %dma_wait3A_26 = tpu.memref_slice %arg8[%mul3A_20] : memref<30720xf32, #tpu.memory_space<vmem_shared>> -> memref<1920xf32, #tpu.memory_space<vmem_shared>>
      tpu.wait_dma2 semaphore(%run_scoped3A : memref<!tpu.dma_semaphore, #tpu.memory_space<semaphore_mem>>) src(%dma_wait3A_26 : memref<1920xf32, #tpu.memory_space<vmem_shared>>) dst(%dma_wait3A_25 : memref<1920xf32, #tpu.memory_space<hbm>>)
      tpu.yield
    }) : () -> ()
    return
  }
}

module attributes {stable_mosaic.version = 14 : i64} {
  func.func @_fmm_body(%arg0: i32, %arg1: i32, %arg2: memref<400x128xf32, #tpu.memory_space<vmem>>, %arg3: memref<1x128x128xf32, #tpu.memory_space<vmem>>, %arg4: memref<1x400x128xf32, #tpu.memory_space<vmem>>) attributes {dimension_semantics = [#tpu.dimension_semantics<arbitrary>, #tpu.dimension_semantics<arbitrary>], iteration_bounds = array<i64: 3, 25>, scalar_prefetch = 0 : i64, scratch_operands = 0 : i64, tpu.core_type = #tpu.core_type<tc>, window_params = [{transform_indices = @transform_0, window_bounds = array<i64: 400, 128>}, {transform_indices = @transform_1, window_bounds = array<i64: 1, 128, 128>}, {transform_indices = @transform_2, window_bounds = array<i64: 1, 400, 128>}]} {
    %get3A = arith.constant 0 : index
    %get3A_0 = arith.constant 0 : index
    %get3A_1 = vector.load %arg2[%get3A, %get3A_0] : memref<400x128xf32, #tpu.memory_space<vmem>>, vector<400x128xf32>
    %get3A_2 = arith.constant 0 : index
    %get3A_3 = arith.constant 0 : index
    %get3A_4 = arith.constant 0 : index
    %get3A_5 = vector.load %arg3[%get3A_2, %get3A_3, %get3A_4] : memref<1x128x128xf32, #tpu.memory_space<vmem>>, vector<1x128x128xf32>
    %get3A_6 = vector.shape_cast %get3A_5 : vector<1x128x128xf32> to vector<128x128xf32>
    %dot_general3A = arith.constant dense<0.000000e+00> : vector<400x128xf32>
    %dot_general3A_7 = tpu.matmul %get3A_1, %get3A_6, %dot_general3A {dimension_numbers = #tpu.dot_dimension_numbers<[1], [0], [0], [1], [0, 0, 1, 1], [], []>, transpose_lhs_hint = false} : vector<400x128xf32>, vector<128x128xf32>, vector<400x128xf32> -> vector<400x128xf32>
    %swap3A = arith.constant 0 : index
    %swap3A_8 = arith.constant 0 : index
    %swap3A_9 = arith.constant 0 : index
    %swap3A_10 = vector.load %arg4[%swap3A, %swap3A_8, %swap3A_9] : memref<1x400x128xf32, #tpu.memory_space<vmem>>, vector<1x400x128xf32>
    %swap3A_11 = vector.shape_cast %swap3A_10 : vector<1x400x128xf32> to vector<400x128xf32>
    %swap3A_12 = vector.shape_cast %dot_general3A_7 : vector<400x128xf32> to vector<1x400x128xf32>
    tpu.vector_store %arg4[%swap3A, %swap3A_8, %swap3A_9], %swap3A_12 {strides = array<i32>} : memref<1x400x128xf32, #tpu.memory_space<vmem>>, vector<1x400x128xf32>,
    return
  }
  func.func @transform_0(%arg0: i32, %arg1: i32) -> (i32, i32) {
    %c0_i32 = arith.constant 0 : i32
    %c0_i32_0 = arith.constant 0 : i32
    return %arg1, %c0_i32 : i32, i32
  }
  func.func @transform_1(%arg0: i32, %arg1: i32) -> (i32, i32, i32) {
    %c0_i32 = arith.constant 0 : i32
    %c0_i32_0 = arith.constant 0 : i32
    %c0_i32_1 = arith.constant 0 : i32
    return %arg0, %c0_i32, %c0_i32_0 : i32, i32, i32
  }
  func.func @transform_2(%arg0: i32, %arg1: i32) -> (i32, i32, i32) {
    %c0_i32 = arith.constant 0 : i32
    %c0_i32_0 = arith.constant 0 : i32
    return %arg0, %arg1, %c0_i32 : i32, i32, i32
  }
}

module attributes {stable_mosaic.version = 14 : i64} {
  func.func @_dis_body(%arg0: memref<480x128xf32, #tpu.memory_space<vmem>>, %arg1: memref<320x128xf32, #tpu.memory_space<vmem>>) attributes {dimension_semantics = [], scalar_prefetch = 0 : i64, scratch_operands = 0 : i64, tpu.core_type = #tpu.core_type<tc>} {
    %get3A = arith.constant 0 : index
    %get3A_0 = arith.constant 0 : index
    %get3A_1 = vector.load %arg0[%get3A, %get3A_0] : memref<480x128xf32, #tpu.memory_space<vmem>>, vector<240x128xf32>
    %get3A_2 = arith.constant 240 : index
    %get3A_3 = arith.constant 0 : index
    %get3A_4 = vector.load %arg0[%get3A_2, %get3A_3] : memref<480x128xf32, #tpu.memory_space<vmem>>, vector<240x128xf32>
    %add3A = arith.addf %get3A_1, %get3A_4 : vector<240x128xf32>
    %gt3A = arith.constant 0.000000e+00 : f32
    %gt3A_5 = vector.broadcast %gt3A : f32 to vector<240x128xf32>
    %gt3A_6 = arith.cmpf ogt, %add3A, %gt3A_5 : vector<240x128xf32>
    %gt3A_7 = arith.constant 0.000000e+00 : f32
    %gt3A_8 = vector.broadcast %gt3A_7 : f32 to vector<240x128xf32>
    %gt3A_9 = arith.cmpf ogt, %add3A, %gt3A_8 : vector<240x128xf32>
    %jit3A = arith.constant 1.000000e+00 : f32
    %broadcast_in_dim3A = vector.broadcast %jit3A : f32 to vector<240x128xf32>
    %select_n3A = arith.select %gt3A_9, %add3A, %broadcast_in_dim3A : vector<240x128xi1>, vector<240x128xf32>
    %rsqrt3A = math.rsqrt %select_n3A : vector<240x128xf32>
    %jit3A_10 = arith.constant 0.000000e+00 : f32
    %broadcast_in_dim3A_11 = vector.broadcast %jit3A_10 : f32 to vector<240x128xf32>
    %select_n3A_12 = arith.select %gt3A_6, %rsqrt3A, %broadcast_in_dim3A_11 : vector<240x128xi1>, vector<240x128xf32>
    %broadcast_in_dim3A_13 = arith.constant 1.000000e+00 : f32
    %broadcast_in_dim3A_14 = vector.broadcast %broadcast_in_dim3A_13 : f32 to vector<80x128xf32>
    %concatenate3A = tpu.concatenate %select_n3A_12, %broadcast_in_dim3A_14 in 0 : vector<240x128xf32>, vector<80x128xf32> -> vector<320x128xf32>
    %swap3A = arith.constant 0 : index
    %swap3A_15 = arith.constant 0 : index
    %swap3A_16 = vector.load %arg1[%swap3A, %swap3A_15] : memref<320x128xf32, #tpu.memory_space<vmem>>, vector<320x128xf32>
    tpu.vector_store %arg1[%swap3A, %swap3A_15], %concatenate3A {strides = array<i32>} : memref<320x128xf32, #tpu.memory_space<vmem>>, vector<320x128xf32>,
    return
  }
}

module attributes {stable_mosaic.version = 14 : i64} {
  func.func @_final_body(%arg0: i32, %arg1: memref<400x128xf32, #tpu.memory_space<vmem>>, %arg2: memref<400x128xf32, #tpu.memory_space<vmem>>, %arg3: memref<128x128xf32, #tpu.memory_space<vmem>>, %arg4: memref<128x128xf32, #tpu.memory_space<vmem>>, %arg5: memref<1x128xf32, #tpu.memory_space<vmem>>, %arg6: memref<1x128xf32, #tpu.memory_space<vmem>>, %arg7: memref<1x128xf32, #tpu.memory_space<vmem>>, %arg8: memref<1x128xf32, #tpu.memory_space<vmem>>, %arg9: memref<400x128xf32, #tpu.memory_space<vmem>>) attributes {dimension_semantics = [#tpu.dimension_semantics<arbitrary>], iteration_bounds = array<i64: 25>, scalar_prefetch = 0 : i64, scratch_operands = 0 : i64, tpu.core_type = #tpu.core_type<tc>, window_params = [{transform_indices = @transform_0, window_bounds = array<i64: 400, 128>}, {transform_indices = @transform_1, window_bounds = array<i64: 400, 128>}, {pipeline_mode = #tpu.pipeline_mode<synchronous>, transform_indices = @transform_2, window_bounds = array<i64: 128, 128>}, {pipeline_mode = #tpu.pipeline_mode<synchronous>, transform_indices = @transform_3, window_bounds = array<i64: 128, 128>}, {pipeline_mode = #tpu.pipeline_mode<synchronous>, transform_indices = @transform_4, window_bounds = array<i64: 1, 128>}, {pipeline_mode = #tpu.pipeline_mode<synchronous>, transform_indices = @transform_5, window_bounds = array<i64: 1, 128>}, {pipeline_mode = #tpu.pipeline_mode<synchronous>, transform_indices = @transform_6, window_bounds = array<i64: 1, 128>}, {pipeline_mode = #tpu.pipeline_mode<synchronous>, transform_indices = @transform_7, window_bounds = array<i64: 1, 128>}, {transform_indices = @transform_8, window_bounds = array<i64: 400, 128>}]} {
    %get3A = arith.constant 0 : index
    %get3A_0 = arith.constant 0 : index
    %get3A_1 = vector.load %arg7[%get3A, %get3A_0] : memref<1x128xf32, #tpu.memory_space<vmem>>, vector<1x128xf32>
    %mul3A = arith.constant 0.999994993 : f32
    %mul3A_2 = vector.broadcast %mul3A : f32 to vector<1x128xf32>
    %mul3A_3 = arith.mulf %get3A_1, %mul3A_2 : vector<1x128xf32>
    %get3A_4 = arith.constant 0 : index
    %get3A_5 = arith.constant 0 : index
    %get3A_6 = vector.load %arg4[%get3A_4, %get3A_5] : memref<128x128xf32, #tpu.memory_space<vmem>>, vector<128x128xf32>
    %mul3A_7 = vector.broadcast %mul3A_3 : vector<1x128xf32> to vector<128x128xf32>
    %mul3A_8 = arith.mulf %get3A_6, %mul3A_7 : vector<128x128xf32>
    %get3A_9 = arith.constant 0 : index
    %get3A_10 = arith.constant 0 : index
    %get3A_11 = vector.load %arg1[%get3A_9, %get3A_10] : memref<400x128xf32, #tpu.memory_space<vmem>>, vector<400x128xf32>
    %get3A_12 = arith.constant 0 : index
    %get3A_13 = arith.constant 0 : index
    %get3A_14 = vector.load %arg3[%get3A_12, %get3A_13] : memref<128x128xf32, #tpu.memory_space<vmem>>, vector<128x128xf32>
    %dot_general3A = arith.constant dense<0.000000e+00> : vector<400x128xf32>
    %dot_general3A_15 = tpu.matmul %get3A_11, %get3A_14, %dot_general3A {dimension_numbers = #tpu.dot_dimension_numbers<[1], [0], [0], [1], [0, 0, 1, 1], [], []>, transpose_lhs_hint = false} : vector<400x128xf32>, vector<128x128xf32>, vector<400x128xf32> -> vector<400x128xf32>
    %get3A_16 = arith.constant 0 : index
    %get3A_17 = arith.constant 0 : index
    %get3A_18 = vector.load %arg2[%get3A_16, %get3A_17] : memref<400x128xf32, #tpu.memory_space<vmem>>, vector<400x128xf32>
    %add3A = arith.addf %dot_general3A_15, %get3A_18 : vector<400x128xf32>
    %get3A_19 = arith.constant 0 : index
    %get3A_20 = arith.constant 0 : index
    %get3A_21 = vector.load %arg5[%get3A_19, %get3A_20] : memref<1x128xf32, #tpu.memory_space<vmem>>, vector<1x128xf32>
    %add3A_22 = vector.broadcast %get3A_21 : vector<1x128xf32> to vector<400x128xf32>
    %add3A_23 = arith.addf %add3A, %add3A_22 : vector<400x128xf32>
    %dot_general3A_24 = arith.constant dense<0.000000e+00> : vector<400x128xf32>
    %dot_general3A_25 = tpu.matmul %add3A_23, %mul3A_8, %dot_general3A_24 {dimension_numbers = #tpu.dot_dimension_numbers<[1], [0], [0], [1], [0, 0, 1, 1], [], []>, transpose_lhs_hint = false} : vector<400x128xf32>, vector<128x128xf32>, vector<400x128xf32> -> vector<400x128xf32>
    %get3A_26 = arith.constant 0 : index
    %get3A_27 = arith.constant 0 : index
    %get3A_28 = vector.load %arg6[%get3A_26, %get3A_27] : memref<1x128xf32, #tpu.memory_space<vmem>>, vector<1x128xf32>
    %mul3A_29 = arith.mulf %get3A_28, %mul3A_3 : vector<1x128xf32>
    %add3A_30 = vector.broadcast %mul3A_29 : vector<1x128xf32> to vector<400x128xf32>
    %add3A_31 = arith.addf %dot_general3A_25, %add3A_30 : vector<400x128xf32>
    %get3A_32 = arith.constant 0 : index
    %get3A_33 = arith.constant 0 : index
    %get3A_34 = vector.load %arg8[%get3A_32, %get3A_33] : memref<1x128xf32, #tpu.memory_space<vmem>>, vector<1x128xf32>
    %add3A_35 = vector.broadcast %get3A_34 : vector<1x128xf32> to vector<400x128xf32>
    %add3A_36 = arith.addf %add3A_31, %add3A_35 : vector<400x128xf32>
    %swap3A = arith.constant 0 : index
    %swap3A_37 = arith.constant 0 : index
    %swap3A_38 = vector.load %arg9[%swap3A, %swap3A_37] : memref<400x128xf32, #tpu.memory_space<vmem>>, vector<400x128xf32>
    tpu.vector_store %arg9[%swap3A, %swap3A_37], %add3A_36 {strides = array<i32>} : memref<400x128xf32, #tpu.memory_space<vmem>>, vector<400x128xf32>,
    return
  }
  func.func @transform_0(%arg0: i32) -> (i32, i32) {
    %c0_i32 = arith.constant 0 : i32
    %c0_i32_0 = arith.constant 0 : i32
    return %arg0, %c0_i32 : i32, i32
  }
  func.func @transform_1(%arg0: i32) -> (i32, i32) {
    %c0_i32 = arith.constant 0 : i32
    %c0_i32_0 = arith.constant 0 : i32
    return %arg0, %c0_i32 : i32, i32
  }
  func.func @transform_2(%arg0: i32) -> (i32, i32) {
    %c0_i32 = arith.constant 0 : i32
    %c0_i32_0 = arith.constant 0 : i32
    %c0_i32_1 = arith.constant 0 : i32
    return %c0_i32, %c0_i32_0 : i32, i32
  }
  func.func @transform_3(%arg0: i32) -> (i32, i32) {
    %c0_i32 = arith.constant 0 : i32
    %c0_i32_0 = arith.constant 0 : i32
    %c0_i32_1 = arith.constant 0 : i32
    return %c0_i32, %c0_i32_0 : i32, i32
  }
  func.func @transform_4(%arg0: i32) -> (i32, i32) {
    %c0_i32 = arith.constant 0 : i32
    %c0_i32_0 = arith.constant 0 : i32
    %c0_i32_1 = arith.constant 0 : i32
    return %c0_i32, %c0_i32_0 : i32, i32
  }
  func.func @transform_5(%arg0: i32) -> (i32, i32) {
    %c0_i32 = arith.constant 0 : i32
    %c0_i32_0 = arith.constant 0 : i32
    %c0_i32_1 = arith.constant 0 : i32
    return %c0_i32, %c0_i32_0 : i32, i32
  }
  func.func @transform_6(%arg0: i32) -> (i32, i32) {
    %c0_i32 = arith.constant 0 : i32
    %c0_i32_0 = arith.constant 0 : i32
    %c0_i32_1 = arith.constant 0 : i32
    return %c0_i32, %c0_i32_0 : i32, i32
  }
  func.func @transform_7(%arg0: i32) -> (i32, i32) {
    %c0_i32 = arith.constant 0 : i32
    %c0_i32_0 = arith.constant 0 : i32
    %c0_i32_1 = arith.constant 0 : i32
    return %c0_i32, %c0_i32_0 : i32, i32
  }
  func.func @transform_8(%arg0: i32) -> (i32, i32) {
    %c0_i32 = arith.constant 0 : i32
    %c0_i32_0 = arith.constant 0 : i32
    return %arg0, %c0_i32 : i32, i32
  }
}

</mosaic_0001>

<sc_bundles>
// kernel: kernel.10.cloned.1.call-start
scs
__scs_entry_jumppad:
0x0: {  	(pc) =	sbr.rel $0x88, $3  }
0x1: {  	(tag) =	ssettag $0x0;
	lr =	simm.s32 $0x1  }
0x2: {  	[smem:$0x3F8D] =	sst lr;
	_ =	strace $0xD0000000  }
0x3: {  	_ = 	snop  }
0x4: {  	_ = 	snop  }
0x5: {  	_ = 	snop  }
0x6: {  	_ = 	snop  }
0x7: {  	_ = 	snop  }
__scs_overlays_trampoline_lowered:
0x8: {  	[smem:$0x3F9C] =	sst s0  }
0x9: {  	[smem:$0x3F9D] =	sst s1  }
0xa: {  	[smem:$0x3F9E] =	sst s2  }
0xb: {  	[smem:$0x3F9F] =	sst s3  }
0xc: {  	[smem:$0x3FA0] =	sst s4  }
0xd: {  	[smem:$0x3FA1] =	sst s5  }
0xe: {  	[smem:$0x3FA2] =	sst s6  }
0xf: {  	[smem:$0x3FA3] =	sst s7  }
0x10: {  	[smem:$0x3FA4] =	sst s8  }
0x11: {  	[smem:$0x3FA5] =	sst s9;
	s0 =	simm.s32 @!p0 $0x0  }
0x12: {  	s1 =	sld [smem:$0x3F8B];
	s0 =	simm.s32 @p0 $0x1  }
0x13: {  	[smem:$0x3FA6] =	sst s0;
	s0 =	simm.s32 @!p1 $0x0  }
0x14: {  	s2 =	sld [smem:$0x3F8A];
	s0 =	simm.s32 @p1 $0x1  }
0x15: {  	[smem:$0x3FA7] =	sst s0;
	s0 =	simm.s32 @!p2 $0x0  }
0x16: {  	s3 =	sld [smem:$0x3FDB];
	s0 =	simm.s32 @p2 $0x1  }
0x17: {  	s4 =	simm.s32 $0x1BF5;
	[smem:$0x3FA9] =	sst s0  }
0x18: {  	s0 =	sld [smem:$0x3F8C];
	_ =	swait.ge [sflag:s4], $0x0  }
0x19: {  	s7 =	sld [smem:$0x3F8D]  }
0x1a: {  	s8 =	sadd.s32 $0xFFFFE003, lr  }
0x1b: {  	s9 =	sadd.s32 $0xFFFFFEF7, lr;
	s5 =	simm.s32 $0xFFFFFFFF;
	p2 =	slt.u32 s8, $0xFFFFF086  }
0x1c: {  	p1 =	slt.u32 s9, $0xF7A;
	s5 =	simm.s32 @!p2 $0x0  }
0x1d: {  	s5 =	simm.s32 @p1 $0x1;
	p0 =	seq.s32 s7, s2  }
0x1e: {  	s7 =	smul.u32 @!p0 $0xF7A, s2;
	p2 =	seq.s32 @!p0 s5, $0x0  }
0x1f: {  	s9 =	smul.u32 $0xF7A, s1;
	s8 =	simm.s32 @!p0 $0x1BF5;
	p2 =	por !p2, p0  }
0x20: {  	[sflag:s8] =	ssyncset.s32 @!p0 $0xFFFFF086;
	s6 =	sadd.s32 @!p0 s3, s7;
	s7 =	simm.s32 @!p0 $0x108  }
0x21: {  	s3 =	sadd.s32 s3, s9;
	s6 =	sadd.s32 @!p0 $0x88, s6;
	s7 =	simm.s32 @p2 $0x1082  }
0x22: {  	[simem:s7], [sflag:s8] =	dma.local @!p0 [hbm:s6], $0xF7A  }
0x23: {  	s9 =	sor.u32 $0xD0000000, s2;
	s6 =	simm.s32 $0x108;
	_ =	swait.ge @!p0 [sflag:s8], $0x0  }
0x24: {  	s3 =	sadd.s32 $0x88, s3;
	s6 =	simm.s32 @!p1 $0x1082;
	[sflag:s4] =	ssyncset.s32 $0xFFFFF086  }
0x25: {  	[simem:s6], [sflag:s4] =	dma.local [hbm:s3], $0xF7A  }
0x26: {  	[smem:$0x3F8D] =	sst s1;
	(tag) =	ssettag s2;
	_ =	strace s9  }
0x27: {  	s1 =	sld [smem:$0x3F9D]  }
0x28: {  	s2 =	sld [smem:$0x3F9E]  }
0x29: {  	s4 =	sld [smem:$0x3FA0]  }
0x2a: {  	p0 =	seq.s32 s5, $0x0;
	s5 =	sld [smem:$0x3FA1]  }
0x2b: {  	s6 =	sld [smem:$0x3FA2]  }
0x2c: {  	s7 =	sld [smem:$0x3FA3]  }
0x2d: {  	s3 =	simm.s32 $0x108;
	s8 =	sld [smem:$0x3FA4]  }
0x2e: {  	s3 =	simm.s32 @!p0 $0x1082;
	s9 =	sld [smem:$0x3FA5]  }
0x2f: {  	lr =	sadd.s32 s0, s3;
	s0 =	sld [smem:$0x3F9C]  }
0x30: {  	s3 =	sld [smem:$0x3F9F]  }
0x31: {  	[smem:$0x3FA8] =	sst s10  }
0x32: {  	s10 =	sld [smem:$0x3FA6];
	_ =	sdelay $0x3  }
0x33: {  	p0 =	seq.s32 s10, $0x1;
	s10 =	sld [smem:$0x3FA8];
	_ =	sdelay $0x3  }
0x34: {  	[smem:$0x3FA8] =	sst s10  }
0x35: {  	s10 =	sld [smem:$0x3FA7];
	_ =	sdelay $0x3  }
0x36: {  	p1 =	seq.s32 s10, $0x1;
	s10 =	sld [smem:$0x3FA8];
	_ =	sdelay $0x3  }
0x37: {  	[smem:$0x3FA8] =	sst s10  }
0x38: {  	s10 =	sld [smem:$0x3FA9]  }
0x39: {  	_ = 	snop;
	(pc) =	sbr.ind lr, $3  }
0x3a: {  	_ = 	snop  }
0x3b: {  	_ = 	snop  }
0x3c: {  	p2 =	seq.s32 s10, $0x1;
	s10 =	sld [smem:$0x3FA8]  }
0x3d: {  	_ =	shalt  }
0x3e: {  	_ =	shalt  }
0x3f: {  	_ =	shalt  }
0x40: {  	_ =	shalt  }
0x41: {  	_ =	shalt  }
0x42: {  	_ =	shalt  }
0x43: {  	_ =	shalt  }
0x44: {  	_ =	shalt  }
0x45: {  	_ =	shalt  }
0x46: {  	_ =	shalt  }
0x47: {  	_ =	shalt  }
0x48: {  	_ =	shalt  }
0x49: {  	_ =	shalt  }
0x4a: {  	_ =	shalt  }
0x4b: {  	_ =	shalt  }
0x4c: {  	_ =	shalt  }
0x4d: {  	_ =	shalt  }
0x4e: {  	_ =	shalt  }
0x4f: {  	_ =	shalt  }
0x50: {  	_ =	shalt  }
0x51: {  	_ =	shalt  }
0x52: {  	_ =	shalt  }
0x53: {  	_ =	shalt  }
0x54: {  	_ =	shalt  }
0x55: {  	_ =	shalt  }
0x56: {  	_ =	shalt  }
0x57: {  	_ =	shalt  }
0x58: {  	_ =	shalt  }
0x59: {  	_ =	shalt  }
0x5a: {  	_ =	shalt  }
0x5b: {  	_ =	shalt  }
0x5c: {  	_ =	shalt  }
0x5d: {  	_ =	shalt  }
0x5e: {  	_ =	shalt  }
0x5f: {  	_ =	shalt  }
0x60: {  	_ =	shalt  }
0x61: {  	_ =	shalt  }
0x62: {  	_ =	shalt  }
0x63: {  	_ =	shalt  }
0x64: {  	_ =	shalt  }
0x65: {  	_ =	shalt  }
0x66: {  	_ =	shalt  }
0x67: {  	_ =	shalt  }
0x68: {  	_ =	shalt  }
0x69: {  	_ =	shalt  }
0x6a: {  	_ =	shalt  }
0x6b: {  	_ =	shalt  }
0x6c: {  	_ =	shalt  }
0x6d: {  	_ =	shalt  }
0x6e: {  	_ =	shalt  }
0x6f: {  	_ =	shalt  }
0x70: {  	_ =	shalt  }
0x71: {  	_ =	shalt  }
0x72: {  	_ =	shalt  }
0x73: {  	_ =	shalt  }
0x74: {  	_ =	shalt  }
0x75: {  	_ =	shalt  }
0x76: {  	_ =	shalt  }
0x77: {  	_ =	shalt  }
0x78: {  	_ =	shalt  }
0x79: {  	_ =	shalt  }
0x7a: {  	_ =	shalt  }
0x7b: {  	_ =	shalt  }
0x7c: {  	_ =	shalt  }
0x7d: {  	_ =	shalt  }
0x7e: {  	_ =	shalt  }
0x7f: {  	_ =	shalt  }
0x80: {  	_ =	shalt  }
0x81: {  	_ =	shalt  }
0x82: {  	_ =	shalt  }
0x83: {  	_ =	shalt  }
0x84: {  	_ =	shalt  }
0x85: {  	_ =	shalt  }
0x86: {  	_ =	shalt  }
0x87: {  	_ =	shalt  }
.Lfunc_end0:
.L_simem_size_0:
called_computation.1_lowered:
.L_overlay_start_0:
0x88: {  	s2 =	sld [smem:$0x3FD9]  }
0x89: {  	s3 =	sld [smem:$0x3FFE];
	_ =	sdelay $0x1  }
0x8a: {  	s1 =	srdreg.scid  }
0x8b: {  	s0 =	sand.u32 $0x1, s1  }
0x8c: {  	s17 =	sshll.u32 s0, $0xA;
	s2 =	sadd.s32 s3, s2  }
0x8d: {  	s2 =	sadd.s32 s2, s17  }
0x8e: {  	[smem:$0x3FB4] =	sst s2  }
0x8f: {  	_ = 	snop  }
0x90: {  	s2 =	sld [smem:$0x3FD0];
	(tm) =	ssettm $0x1  }
0x91: {  	s18 =	sld [smem:$0x3FFB];
	_ =	sdelay $0x3  }
0x92: {  	_ =	strace s18  }
0x93: {  	s3 =	sld [smem:$0x3FFC];
	_ =	sdelay $0x3  }
0x94: {  	_ =	strace s3  }
0x95: {  	s3 =	sld [smem:$0x3FFD];
	_ =	sdelay $0x3  }
0x96: {  	_ =	strace s3  }
0x97: {  	_ =	strace $0x8FFFFFFF  }
0x98: {  	s19 =	sld [smem:$0x3FDB];
	_ =	sdelay $0x1  }
0x99: {  	s4 =	simm.s32 $_scs_section_size  }
0x9a: {  	s5 =	simm.s32 $_size__tile_overlayer_lowered;
	s6 =	simm.s32 $_tile_overlayer_lowered  }
0x9b: {  	s22 =	simm.s32 $0x1BFF;
	s21 =	sshll.u32 s6, $0x1;
	s3 =	sadd.s32 s4, s19  }
0x9c: {  	s7 =	simm.s32 $0x0;
	s20 =	sshll.u32 s5, $0x1;
	s5 =	sadd.s32 s21, s3  }
0x9d: {  	[timem:s7], [sflag:s22] =	dma.local [hbm:s5], s20  }
0x9e: {  	_ =	swait.ge [sflag:s22], s20  }
0x9f: {  	s4 =	ssub.s32 $0x0, s20;
	[sflag:s22] =	ssyncset.done $0x0  }
0xa0: {  	[sflag:s22] =	ssyncadd.s32 s4;
	_ =	sdelay $0x1  }
0xa1: {  	s23 =	simm.s32 $0x1B8B  }
0xa2: {  	_ =	swait.ge [sflag:s23], $0x1  }
0xa3: {  	[sflag:s23] =	ssyncset.done $0x0  }
0xa4: {  	s25 =	simm.s32 $0x1B8E;
	s24 =	sld [smem:$0x3FFE];
	[sflag:s23] =	ssyncadd.s32 $0xFFFFFFFF  }
0xa5: {  	s26 =	simm.s32 $execute0_lowered;
	[smem:$0x3FD2] =	sst s25  }
0xa6: {  	s5 =	sshll.u32 s26, $0x1;
	_ =	strace $0x80000049;
	[dreg:$0x1] =	wrdreg $0xFFFFFFFF  }
0xa7: {  	s28 =	simm.s32 $_size_execute0_lowered;
	s3 =	sadd.s32 s3, s5;
	[dreg:$0x0] =	wrdreg $0x0  }
0xa8: {  	s5 =	sshll.u32 s28, $0x1;
	[dreg:$0x2] =	wrdreg s3  }
0xa9: {  	[dreg:$0x3] =	wrdreg s5  }
0xaa: {  	[dreg:$0x4] =	wrdreg $0xC0  }
0xab: {  	_ =	task [dreg:s7], $0x5FFFF  }
0xac: {  	[dreg:$0x1] =	wrdreg $0xFFFFFFFF  }
0xad: {  	[dreg:$0x0] =	wrdreg $0x60  }
0xae: {  	[dreg:$0x2] =	wrdreg s24  }
0xaf: {  	[dreg:$0x3] =	wrdreg s2  }
0xb0: {  	[dreg:$0x4] =	wrdreg $0x124000  }
0xb1: {  	[dreg:$0x5] =	wrdreg $0x9  }
0xb2: {  	_ =	task.clear_ibuf [dreg:s7], $0x6FFFF;
	_ =	strace $0x90000049  }
0xb3: {  	s29 =	simm.s32 $0x9;
	_ =	strace $0x8000004B  }
0xb4: {  	_ =	swait.ge [sflag:s29], $0x1  }
0xb5: {  	[sflag:s29] =	ssyncadd.s32 $0xFFFFFFFF  }
0xb6: {  	_ =	strace $0x9000004B  }
0xb7: {  	_ =	sfence  }
0xb8: {  	s30 =	sld [smem:$0x0];
	_ =	sdelay $0x2  }
0xb9: {  	s31 =	sshll.u32 s1, $0xD;
	s1 =	sshrl.u32 s1, $0x2  }
0xba: {  	s3 =	sand.u32 $0x4000, s31;
	s1 =	sadd.s32 s1, s30  }
0xbb: {  	s0 =	sor.u32 s3, s0;
	s1 =	sshll.u32 s1, $0x11  }
0xbc: {  	s0 =	sor.u32 s1, s0  }
0xbd: {  	s0 =	sadd.s32 $0x8F2B, s0  }
0xbe: {  	[sflag:s0] =	ssyncadd.remote.s32 $0x1  }
0xbf: {  	_ =	sfence.sel $0xFFFF  }
0xc0: {  	[dreg:$0x0] =	wrdreg $0xFFFFFFFF;
	(pc) =	sbr.abs _section_cstart, $3  }
0xc1: {  	[dreg:$0x1] =	wrdreg $0xFFFFFFFF  }
0xc2: {  	_ =	task.clear_ibuf [dreg:s7], $0x2FFFF;
	_ =	strace $0x9FFFFFFF  }
0xc3: {  	(tm) =	ssettm $0x7FFFFFFF  }
tec
execute0_lowered:
.L_overlay_start_1:
0x0: {  	(tag) =	ssettag $0x1  }
0x1: {  	s0 =	rddreg [dreg:$0x0];
	s1 =	srdreg.scid  }
0x2: {  	s2 =	rddreg [dreg:$0x2];
	s3 =	simm.s32 $0x0;
	s15 =	stileid.u32  }
0x3: {  	s29 =	simm.s32 $0x10400;
	s30 =	simm.s32 $0x1;
	s31 =	simm.s32 $0xA000  }
0x4: {  	s1 =	sand.u32 $0x1, s1;
	[smem:$0x7FF] =	sst s3;
	s5 =	sadd.s32 $0x57000, s0  }
0x5: {  	s6 =	sadd.s32 $0xB8C00, s0;
	s7 =	sadd.s32 $0x1C4000, s0;
	s10 =	smul.u32 $0x28000, s15  }
0x6: {  	s8 =	sadd.s32 $0x192000, s0;
	s9 =	sadd.s32 $0xEAC00, s0;
	s13 =	smul.u32 $0xA000, s15  }
0x7: {  	s4 =	smul.u32 $0x3A980, s1;
	_ =	strace $0x8000004A;
	s11 =	ssub.s32 $0x2, s1  }
0x8: {  	s1 =	smul.u32 $0xA0000, s1;
	s12 =	sshrl.u32 s11, $0x1;
	s10 =	sshrl.u32 s10, $0x2  }
0x9: {  	s16 =	sadd.s32 $0x2000, s13;
	s24 =	sadd.s32 $0x4000, s13;
	s26 =	sadd.s32 $0x6000, s13  }
0xa: {  	s17 =	sadd.s32 $0x8000, s13;
	s4 =	sadd.s32 s4, s0;
	s0 =	sadd.s32 $0x89000, s0  }
0xb: {  	s14 =	ssub.s32 s11, s12;
	s10 =	sadd.s32 s10, s2;
	s11 =	smul.u32 $0x320, s15  }
0xc: {  	s18 =	sadd.s32 s1, s13;
	s20 =	sadd.s32 s1, s16;
	s25 =	sadd.s32 s1, s24  }
0xd: {  	s15 =	simm.s32 $0x0;
	s12 =	sadd.s32 $0x11CC00, s4;
	s19 =	sshrl.u32 s18, $0x3  }
0xe: {  	s21 =	smax.u32 s14, $0x1;
	s22 =	sshrl.u32 s20, $0x3;
	s23 =	sadd.s32 $0x2000, s10  }
0xf: {  	s14 =	sshrl.u32 s25, $0x3;
	s18 =	sadd.s32 s1, s26;
	s1 =	sadd.s32 s1, s17  }
0x10: {  	s20 =	sadd.s32 s13, s2;
	s28 =	sadd.s32 $0x8000, s10;
	[dreg:$0x5] =	wrdreg s21  }
0x11: {  	s13 =	simm.s32 $0xF000;
	s4 =	sadd.s32 s0, s19;
	[dreg:$0x6] =	wrdreg s23  }
0x12: {  	s14 =	sadd.s32 s0, s14;
	s18 =	sshrl.u32 s18, $0x3;
	[dreg:$0x4] =	wrdreg s4  }
0x13: {  	s1 =	sshrl.u32 s1, $0x3;
	s19 =	sadd.s32 $0x4000, s10;
	[dreg:$0x8] =	wrdreg s14  }
0x14: {  	s21 =	sadd.s32 s16, s2;
	s4 =	sadd.s32 s0, s22;
	[dreg:$0xb] =	wrdreg s19  }
0x15: {  	s23 =	sadd.s32 s17, s2;
	s14 =	sadd.s32 s0, s18;
	[dreg:$0x7] =	wrdreg s4  }
0x16: {  	v0 =	vimm.f32 $0.0e+00;
	v1 =	vimm.s32 $0x0;
	s0 =	sadd.s32 s0, s1;
	s22 =	sadd.s32 s26, s2;
	[dreg:$0x9] =	wrdreg s14  }
0x17: {  	v2 =	vimm.s32 $0x1;
	v3 =	vimm.s32 $0x2;
	v4 =	vimm.s32 $0x3;
	s25 =	sshrl.u32 s21, $0x3;
	s1 =	simm.s32 $0xC800;
	[dreg:$0xa] =	wrdreg s0  }
0x18: {  	v5 =	vimm.s32 $0x4;
	v6 =	vimm.s32 $0x5;
	v7 =	vimm.s32 $0x6;
	s4 =	sadd.s32 s24, s2;
	s0 =	sshrl.u32 s20, $0x3;
	[dreg:$0xd] =	wrdreg s25  }
0x19: {  	v8 =	vimm.s32 $0x7;
	v9 =	vimm.s32 $0x8;
	v10 =	vimm.s32 $0x9;
	s24 =	sshrl.u32 s22, $0x3;
	s25 =	sshrl.u32 s23, $0x3;
	s14 =	simm.s32 $0x80  }
0x1a: {  	v11 =	vimm.s32 $0xA;
	v12 =	vimm.s32 $0xB;
	v13 =	vimm.s32 $0xC;
	[dreg:$0xc] =	wrdreg s0;
	s26 =	sshrl.u32 s4, $0x3;
	s0 =	simm.s32 $0xB400  }
0x1b: {  	v14 =	vimm.s32 $0xD;
	v15 =	vimm.s32 $0xE;
	v16 =	vimm.s32 $0xF;
	s4 =	simm.s32 $0xDC00;
	[dreg:$0xe] =	wrdreg s26;
	s26 =	sadd.s32 $0x6000, s10  }
.LBB2_1:
0x1c: {  	s16 =	sand.u32 $0x7F00, s3  }
0x1d: {  	s17 =	sand.u32 $0x30, s3;
	s18 =	sshrl.u32 s16, $0x2  }
0x1e: {  	s16 =	simm.s32 $0x40;
	s18 =	sor.u32 s17, s18;
	s17 =	simm.s32 $0x0  }
.LBB2_2:
0x1f: {  	p0 =	sne.s32 s16, $0x7FC0  }
0x20: {  	[tilespmem:s18+$0x10400] =	vst v0;
	s17 =	sadd.s32 $0x10, s17;
	s18 =	smov.u32 s16;
	s16 =	sadd.s32 $0x40, s16  }
.Ltmp0:
0x21: {  	(pc) =	sbr.rel @p0 .LBB2_2-.Ltmp0, $4  }
0x22: {  	_ = 	snop  }
0x23: {  	s18 =	sand.u32 $0x7F00, s18  }
0x24: {  	s19 =	sand.u32 $0x30, s17;
	s18 =	sshrl.u32 s18, $0x2  }
0x25: {  	s18 =	sor.u32 s19, s18  }
0x26: {  	[tilespmem:s18+$0x10400] =	vst v0  }
0x27: {  	[spmem:s10] =	stream.linear.scatter [tilespmem:s29], [sflag:$0x1], $0x2000, $0x38;
	[tilespmem:$0x1C400] =	vst v63  }
0x28: {  	_ =	swait.ge [sflag:s30], $0x2000  }
0x29: {  	[sflag:s30] =	ssyncset.done $0x0  }
0x2a: {  	s16 =	rddreg [dreg:$0x6];
	[sflag:s30] =	ssyncadd.s32 $0xFFFFE000  }
0x2b: {  	[spmem:s16] =	stream.linear.scatter [tilespmem:s29], [sflag:$0x1], $0x2000, $0x38;
	[tilespmem:$0x1C400] =	vst v63  }
0x2c: {  	_ =	swait.ge [sflag:s30], $0x2000  }
0x2d: {  	[sflag:s30] =	ssyncset.done $0x0  }
0x2e: {  	s23 =	rddreg [dreg:$0xb];
	[sflag:s30] =	ssyncadd.s32 $0xFFFFE000  }
0x2f: {  	[spmem:s23] =	stream.linear.scatter [tilespmem:s29], [sflag:$0x1], $0x2000, $0x38;
	[tilespmem:$0x1C400] =	vst v63  }
0x30: {  	_ =	swait.ge [sflag:s30], $0x2000  }
0x31: {  	[sflag:s30] =	ssyncset.done $0x0  }
0x32: {  	[sflag:s30] =	ssyncadd.s32 $0xFFFFE000  }
0x33: {  	[spmem:s26] =	stream.linear.scatter [tilespmem:s29], [sflag:$0x1], $0x2000, $0x38;
	[tilespmem:$0x1C400] =	vst v63  }
0x34: {  	_ =	swait.ge [sflag:s30], $0x2000  }
0x35: {  	[sflag:s30] =	ssyncset.done $0x0  }
0x36: {  	[sflag:s30] =	ssyncadd.s32 $0xFFFFE000  }
0x37: {  	[spmem:s28] =	stream.linear.scatter [tilespmem:s29], [sflag:$0x1], $0x2000, $0x38;
	[tilespmem:$0x1C400] =	vst v63  }
0x38: {  	_ =	swait.ge [sflag:s30], $0x2000  }
0x39: {  	[sflag:s30] =	ssyncset.done $0x0  }
0x3a: {  	[sflag:s30] =	ssyncadd.s32 $0xFFFFE000  }
0x3b: {  	s16 =	simm.s32 $0x0;
	s17 =	rddreg [dreg:$0x1]  }
0x3c: {  	[tilespmem:s16], [sflag:$0x1] =	stream.linear.gather [hbm4b:s17+s16], $0xA000, $0x38;
	[tilespmem:$0x1C400] =	vst v63  }
0x3d: {  	_ =	swait.ge [sflag:s30], $0xA000  }
0x3e: {  	[sflag:s30] =	ssyncset.done $0x0  }
0x3f: {  	[sflag:s30] =	ssyncadd.s32 $0xFFFF6000  }
0x40: {  	s17 =	simm.s32 $0x0;
	[bflag:$0x0] =	sbarrier.arrive $0xFFFF  }
.LBB2_4:
0x41: {  	s18 =	smul.u32 $0x28, s17;
	_ =	sdelay $0x1  }
0x42: {  	s18 =	sadd.s32 s11, s18  }
0x43: {  	s18 =	sshll.u32 s18, $0x4  }
0x44: {  	s19 =	sadd.s32 s5, s18  }
0x45: {  	[tilespmem:s31], [sflag:$0x1] =	stream.linear.gather [hbm4b:s19+s16], $0x1400, $0x38;
	[tilespmem:$0x1C400] =	vst v63  }
0x46: {  	_ =	swait.ge [sflag:s30], $0x1400  }
0x47: {  	[sflag:s30] =	ssyncset.done $0x0  }
0x48: {  	s21 =	sadd.s32 s6, s18;
	[sflag:s30] =	ssyncadd.s32 $0xFFFFEC00  }
0x49: {  	[tilespmem:s0], [sflag:$0x1] =	stream.linear.gather [hbm4b:s21+s16], $0x1400, $0x38;
	[tilespmem:$0x1C400] =	vst v63  }
0x4a: {  	_ =	swait.ge [sflag:s30], $0x1400  }
0x4b: {  	[sflag:s30] =	ssyncset.done $0x0  }
0x4c: {  	s22 =	sadd.s32 s7, s18;
	[sflag:s30] =	ssyncadd.s32 $0xFFFFEC00  }
0x4d: {  	[tilespmem:s1], [sflag:$0x1] =	stream.linear.gather [hbm4b:s22+s16], $0x1400, $0x38;
	[tilespmem:$0x1C400] =	vst v63  }
0x4e: {  	_ =	swait.ge [sflag:s30], $0x1400  }
0x4f: {  	[sflag:s30] =	ssyncset.done $0x0  }
0x50: {  	s23 =	sadd.s32 s8, s18;
	[sflag:s30] =	ssyncadd.s32 $0xFFFFEC00  }
0x51: {  	[tilespmem:s4], [sflag:$0x1] =	stream.linear.gather [hbm4b:s23+s16], $0x1400, $0x38;
	[tilespmem:$0x1C400] =	vst v63  }
0x52: {  	_ =	swait.ge [sflag:s30], $0x1400  }
0x53: {  	[sflag:s30] =	ssyncset.done $0x0  }
0x54: {  	s18 =	sadd.s32 s9, s18;
	[sflag:s30] =	ssyncadd.s32 $0xFFFFEC00  }
0x55: {  	[tilespmem:s13], [sflag:$0x1] =	stream.linear.gather [hbm4b:s18+s16], $0x1400, $0x38;
	[tilespmem:$0x1C400] =	vst v63  }
0x56: {  	_ =	swait.ge [sflag:s30], $0x1400  }
0x57: {  	[sflag:s30] =	ssyncset.done $0x0  }
0x58: {  	s18 =	simm.s32 $0x0;
	[sflag:s30] =	ssyncadd.s32 $0xFFFFEC00  }
0x59: {  	v17 =	vld [tilespmem:s18+$0xC800]  }
0x5a: {  	v19 =	vld [tilespmem:s18+$0xDC00];
	_ =	sdelay $0x5  }
0x5b: {  	v18 =	vld [tilespmem:s18+$0xF000]  }
0x5c: {  	v17 =	vld.idx.msk [tilespmem:v17+s3+$0x0], $0xffff  }
0x5d: {  	s20 =	simm.s32 $0x80;
	s19 =	simm.s32 $0x10;
	v19 =	vld.idx.msk [tilespmem:v19+s3+$0x0], $0xffff  }
.LBB2_5:
0x5e: {  	p0 =	seq.s32 s20, $0x4FC0;
	v20 =	vld [tilespmem:s19+$0xC800];
	_ =	sdelay $0x1  }
0x5f: {  	v21 =	vld [tilespmem:s19+$0xDC00]  }
0x60: {  	v17 =	vmul.f32 v18, v17;
	_ =	sdelay $0x1  }
0x61: {  	v17 =	vmul.f32 v17, v19  }
.Ltmp1:
0x62: {  	(pc) =	sbr.rel @!p0 .LBB2_5-.Ltmp1, $4  }
0x63: {  	[tilespmem:s18+$0xF000] =	vst v17;
	s18 =	smov.u32 s19  }
0x64: {  	v17 =	vld.idx.msk [tilespmem:v20+s3+$0x0], $0xffff  }
0x65: {  	v18 =	vld [tilespmem:s18+$0xF000]  }
0x66: {  	s19 =	sshra.s32 s20, $0x2;
	s20 =	sadd.s32 $0x40, s20;
	v19 =	vld.idx.msk [tilespmem:v21+s3+$0x0], $0xffff  }
0x67: {  	v20 =	vld [tilespmem:s19+$0xC800];
	_ =	sdelay $0x2  }
0x68: {  	v21 =	vld [tilespmem:s19+$0xDC00];
	v17 =	vmul.f32 v18, v17;
	_ =	sdelay $0x1  }
0x69: {  	v17 =	vmul.f32 v17, v19;
	_ =	sdelay $0x1  }
0x6a: {  	[tilespmem:s18+$0xF000] =	vst v17  }
0x6b: {  	v17 =	vld.idx.msk [tilespmem:v20+s3+$0x0], $0xffff  }
0x6c: {  	v18 =	vld [tilespmem:s19+$0xF000];
	_ =	sdelay $0x1  }
0x6d: {  	v19 =	vld.idx.msk [tilespmem:v21+s3+$0x0], $0xffff;
	_ =	sdelay $0x2  }
0x6e: {  	v17 =	vmul.f32 v18, v17;
	_ =	sdelay $0x1  }
0x6f: {  	v17 =	vmul.f32 v17, v19;
	_ =	sdelay $0x1  }
0x70: {  	s18 =	simm.s32 $0x0;
	[tilespmem:s19+$0xF000] =	vst v17;
	s19 =	simm.s32 $0xF000  }
.LBB2_7:
0x71: {  	s20 =	sshll.u32 s18, $0x7  }
0x72: {  	s21 =	sadd.s32 $0xA000, s20  }
0x73: {  	v17 =	vmov s19;
	[tilespmem:s29], [sflag:$0x1] =	stream.indirect.gather [hbm4b:s12+s14], $0x40, s21, s14, $0xb8;
	[tilespmem:$0x1C400] =	vst v63  }
0x74: {  	_ =	swait.ge [sflag:s30], $0x2000  }
0x75: {  	[sflag:s30] =	ssyncset.done $0x0  }
0x76: {  	s22 =	simm.s32 $0x0;
	s21 =	simm.s32 $0x10600;
	[sflag:s30] =	ssyncadd.s32 $0xFFFFE000  }
.LBB2_8:
0x77: {  	s23 =	sshra.s32 s22, $0x2  }
0x78: {  	v18 =	vld.idx.msk [tilespmem:v17+s23+$0x0 ss:$0x1], $0xffff;
	_ =	sdelay $0x1  }
0x79: {  	v19 =	vld [tilespmem:s21+$0xFFFFFE00];
	_ =	sdelay $0x2  }
0x7a: {  	v20 =	vperm.xlane v18, v1;
	_ =	sdelay $0x1  }
0x7b: {  	v19 =	vmul.f32 v19, v20;
	_ =	sdelay $0x1  }
0x7c: {  	[tilespmem:s21+$0xFFFFFE00] =	vst v19;
	v19 =	vld [tilespmem:s21+$0xFFFFFE10];
	_ =	sdelay $0x4  }
0x7d: {  	v19 =	vmul.f32 v19, v20;
	_ =	sdelay $0x1  }
0x7e: {  	[tilespmem:s21+$0xFFFFFE10] =	vst v19;
	v19 =	vld [tilespmem:s21+$0xFFFFFE20];
	_ =	sdelay $0x4  }
0x7f: {  	v19 =	vmul.f32 v19, v20;
	_ =	sdelay $0x1  }
0x80: {  	[tilespmem:s21+$0xFFFFFE20] =	vst v19;
	v19 =	vld [tilespmem:s21+$0xFFFFFE30];
	_ =	sdelay $0x4  }
0x81: {  	v19 =	vmul.f32 v19, v20;
	_ =	sdelay $0x1  }
0x82: {  	[tilespmem:s21+$0xFFFFFE30] =	vst v19;
	v19 =	vld [tilespmem:s21+$0xFFFFFE40];
	_ =	sdelay $0x2  }
0x83: {  	v50 =	vperm.xlane v18, v2;
	_ =	sdelay $0x1  }
0x84: {  	v19 =	vmul.f32 v19, v50;
	_ =	sdelay $0x1  }
0x85: {  	[tilespmem:s21+$0xFFFFFE40] =	vst v19;
	v19 =	vld [tilespmem:s21+$0xFFFFFE50];
	_ =	sdelay $0x4  }
0x86: {  	v19 =	vmul.f32 v19, v50;
	_ =	sdelay $0x1  }
0x87: {  	[tilespmem:s21+$0xFFFFFE50] =	vst v19;
	v19 =	vld [tilespmem:s21+$0xFFFFFE60];
	_ =	sdelay $0x4  }
0x88: {  	v19 =	vmul.f32 v19, v50;
	_ =	sdelay $0x1  }
0x89: {  	[tilespmem:s21+$0xFFFFFE60] =	vst v19;
	v19 =	vld [tilespmem:s21+$0xFFFFFE70];
	_ =	sdelay $0x4  }
0x8a: {  	v19 =	vmul.f32 v19, v50;
	_ =	sdelay $0x1  }
0x8b: {  	[tilespmem:s21+$0xFFFFFE70] =	vst v19;
	v19 =	vld [tilespmem:s21+$0xFFFFFE80];
	_ =	sdelay $0x2  }
0x8c: {  	v51 =	vperm.xlane v18, v3;
	_ =	sdelay $0x1  }
0x8d: {  	v19 =	vmul.f32 v19, v51;
	_ =	sdelay $0x1  }
0x8e: {  	[tilespmem:s21+$0xFFFFFE80] =	vst v19;
	v19 =	vld [tilespmem:s21+$0xFFFFFE90];
	_ =	sdelay $0x4  }
0x8f: {  	v19 =	vmul.f32 v19, v51;
	_ =	sdelay $0x1  }
0x90: {  	[tilespmem:s21+$0xFFFFFE90] =	vst v19;
	v19 =	vld [tilespmem:s21+$0xFFFFFEA0];
	_ =	sdelay $0x4  }
0x91: {  	v19 =	vmul.f32 v19, v51;
	_ =	sdelay $0x1  }
0x92: {  	[tilespmem:s21+$0xFFFFFEA0] =	vst v19;
	v19 =	vld [tilespmem:s21+$0xFFFFFEB0];
	_ =	sdelay $0x4  }
0x93: {  	v19 =	vmul.f32 v19, v51;
	_ =	sdelay $0x1  }
0x94: {  	[tilespmem:s21+$0xFFFFFEB0] =	vst v19;
	v19 =	vld [tilespmem:s21+$0xFFFFFEC0];
	_ =	sdelay $0x2  }
0x95: {  	v52 =	vperm.xlane v18, v4;
	_ =	sdelay $0x1  }
0x96: {  	v19 =	vmul.f32 v19, v52;
	_ =	sdelay $0x1  }
0x97: {  	[tilespmem:s21+$0xFFFFFEC0] =	vst v19;
	v19 =	vld [tilespmem:s21+$0xFFFFFED0];
	_ =	sdelay $0x4  }
0x98: {  	v19 =	vmul.f32 v19, v52;
	_ =	sdelay $0x1  }
0x99: {  	[tilespmem:s21+$0xFFFFFED0] =	vst v19;
	v19 =	vld [tilespmem:s21+$0xFFFFFEE0];
	_ =	sdelay $0x4  }
0x9a: {  	v19 =	vmul.f32 v19, v52;
	_ =	sdelay $0x1  }
0x9b: {  	[tilespmem:s21+$0xFFFFFEE0] =	vst v19;
	v19 =	vld [tilespmem:s21+$0xFFFFFEF0];
	_ =	sdelay $0x4  }
0x9c: {  	v19 =	vmul.f32 v19, v52;
	_ =	sdelay $0x1  }
0x9d: {  	[tilespmem:s21+$0xFFFFFEF0] =	vst v19;
	v19 =	vld [tilespmem:s21+$0xFFFFFF00];
	_ =	sdelay $0x2  }
0x9e: {  	v53 =	vperm.xlane v18, v5;
	_ =	sdelay $0x1  }
0x9f: {  	v19 =	vmul.f32 v19, v53;
	_ =	sdelay $0x1  }
0xa0: {  	[tilespmem:s21+$0xFFFFFF00] =	vst v19;
	v19 =	vld [tilespmem:s21+$0xFFFFFF10];
	_ =	sdelay $0x4  }
0xa1: {  	v19 =	vmul.f32 v19, v53;
	_ =	sdelay $0x1  }
0xa2: {  	[tilespmem:s21+$0xFFFFFF10] =	vst v19;
	v19 =	vld [tilespmem:s21+$0xFFFFFF20];
	_ =	sdelay $0x4  }
0xa3: {  	v19 =	vmul.f32 v19, v53;
	_ =	sdelay $0x1  }
0xa4: {  	[tilespmem:s21+$0xFFFFFF20] =	vst v19;
	v19 =	vld [tilespmem:s21+$0xFFFFFF30];
	_ =	sdelay $0x4  }
0xa5: {  	v19 =	vmul.f32 v19, v53;
	_ =	sdelay $0x1  }
0xa6: {  	[tilespmem:s21+$0xFFFFFF30] =	vst v19;
	v19 =	vld [tilespmem:s21+$0xFFFFFF40];
	_ =	sdelay $0x2  }
0xa7: {  	v54 =	vperm.xlane v18, v6;
	_ =	sdelay $0x1  }
0xa8: {  	v19 =	vmul.f32 v19, v54;
	_ =	sdelay $0x1  }
0xa9: {  	[tilespmem:s21+$0xFFFFFF40] =	vst v19;
	v19 =	vld [tilespmem:s21+$0xFFFFFF50];
	_ =	sdelay $0x4  }
0xaa: {  	v19 =	vmul.f32 v19, v54;
	_ =	sdelay $0x1  }
0xab: {  	[tilespmem:s21+$0xFFFFFF50] =	vst v19;
	v19 =	vld [tilespmem:s21+$0xFFFFFF60];
	_ =	sdelay $0x4  }
0xac: {  	v19 =	vmul.f32 v19, v54;
	_ =	sdelay $0x1  }
0xad: {  	[tilespmem:s21+$0xFFFFFF60] =	vst v19;
	v19 =	vld [tilespmem:s21+$0xFFFFFF70];
	_ =	sdelay $0x4  }
0xae: {  	v19 =	vmul.f32 v19, v54;
	_ =	sdelay $0x1  }
0xaf: {  	[tilespmem:s21+$0xFFFFFF70] =	vst v19;
	v19 =	vld [tilespmem:s21+$0xFFFFFF80];
	_ =	sdelay $0x2  }
0xb0: {  	v55 =	vperm.xlane v18, v7;
	_ =	sdelay $0x1  }
0xb1: {  	v19 =	vmul.f32 v19, v55;
	_ =	sdelay $0x1  }
0xb2: {  	[tilespmem:s21+$0xFFFFFF80] =	vst v19;
	v19 =	vld [tilespmem:s21+$0xFFFFFF90];
	_ =	sdelay $0x4  }
0xb3: {  	v19 =	vmul.f32 v19, v55;
	_ =	sdelay $0x1  }
0xb4: {  	[tilespmem:s21+$0xFFFFFF90] =	vst v19;
	v19 =	vld [tilespmem:s21+$0xFFFFFFA0];
	_ =	sdelay $0x4  }
0xb5: {  	v19 =	vmul.f32 v19, v55;
	_ =	sdelay $0x1  }
0xb6: {  	[tilespmem:s21+$0xFFFFFFA0] =	vst v19;
	v19 =	vld [tilespmem:s21+$0xFFFFFFB0];
	_ =	sdelay $0x4  }
0xb7: {  	v19 =	vmul.f32 v19, v55;
	_ =	sdelay $0x1  }
0xb8: {  	[tilespmem:s21+$0xFFFFFFB0] =	vst v19;
	v19 =	vld [tilespmem:s21+$0xFFFFFFC0];
	_ =	sdelay $0x2  }
0xb9: {  	v56 =	vperm.xlane v18, v8;
	_ =	sdelay $0x1  }
0xba: {  	v19 =	vmul.f32 v19, v56;
	_ =	sdelay $0x1  }
0xbb: {  	[tilespmem:s21+$0xFFFFFFC0] =	vst v19;
	v19 =	vld [tilespmem:s21+$0xFFFFFFD0];
	_ =	sdelay $0x4  }
0xbc: {  	v19 =	vmul.f32 v19, v56;
	_ =	sdelay $0x1  }
0xbd: {  	[tilespmem:s21+$0xFFFFFFD0] =	vst v19;
	v19 =	vld [tilespmem:s21+$0xFFFFFFE0];
	_ =	sdelay $0x4  }
0xbe: {  	v19 =	vmul.f32 v19, v56;
	_ =	sdelay $0x1  }
0xbf: {  	[tilespmem:s21+$0xFFFFFFE0] =	vst v19;
	v19 =	vld [tilespmem:s21+$0xFFFFFFF0];
	_ =	sdelay $0x4  }
0xc0: {  	v19 =	vmul.f32 v19, v56;
	_ =	sdelay $0x1  }
0xc1: {  	[tilespmem:s21+$0xFFFFFFF0] =	vst v19;
	v19 =	vld [tilespmem:s21+$0x0];
	_ =	sdelay $0x2  }
0xc2: {  	v57 =	vperm.xlane v18, v9;
	_ =	sdelay $0x1  }
0xc3: {  	v19 =	vmul.f32 v19, v57;
	_ =	sdelay $0x1  }
0xc4: {  	[tilespmem:s21+$0x0] =	vst v19;
	v19 =	vld [tilespmem:s21+$0x10];
	_ =	sdelay $0x4  }
0xc5: {  	v19 =	vmul.f32 v19, v57;
	_ =	sdelay $0x1  }
0xc6: {  	[tilespmem:s21+$0x10] =	vst v19;
	v19 =	vld [tilespmem:s21+$0x20];
	_ =	sdelay $0x4  }
0xc7: {  	v19 =	vmul.f32 v19, v57;
	_ =	sdelay $0x1  }
0xc8: {  	[tilespmem:s21+$0x20] =	vst v19;
	v19 =	vld [tilespmem:s21+$0x30];
	_ =	sdelay $0x4  }
0xc9: {  	v19 =	vmul.f32 v19, v57;
	_ =	sdelay $0x1  }
0xca: {  	[tilespmem:s21+$0x30] =	vst v19;
	v19 =	vld [tilespmem:s21+$0x40];
	_ =	sdelay $0x2  }
0xcb: {  	v58 =	vperm.xlane v18, v10;
	_ =	sdelay $0x1  }
0xcc: {  	v19 =	vmul.f32 v19, v58;
	_ =	sdelay $0x1  }
0xcd: {  	[tilespmem:s21+$0x40] =	vst v19;
	v19 =	vld [tilespmem:s21+$0x50];
	_ =	sdelay $0x4  }
0xce: {  	v19 =	vmul.f32 v19, v58;
	_ =	sdelay $0x1  }
0xcf: {  	[tilespmem:s21+$0x50] =	vst v19;
	v19 =	vld [tilespmem:s21+$0x60];
	_ =	sdelay $0x4  }
0xd0: {  	v19 =	vmul.f32 v19, v58;
	_ =	sdelay $0x1  }
0xd1: {  	[tilespmem:s21+$0x60] =	vst v19;
	v19 =	vld [tilespmem:s21+$0x70];
	_ =	sdelay $0x4  }
0xd2: {  	v19 =	vmul.f32 v19, v58;
	_ =	sdelay $0x1  }
0xd3: {  	[tilespmem:s21+$0x70] =	vst v19;
	v19 =	vld [tilespmem:s21+$0x80];
	_ =	sdelay $0x2  }
0xd4: {  	v59 =	vperm.xlane v18, v11;
	_ =	sdelay $0x1  }
0xd5: {  	v19 =	vmul.f32 v19, v59;
	_ =	sdelay $0x1  }
0xd6: {  	[tilespmem:s21+$0x80] =	vst v19;
	v19 =	vld [tilespmem:s21+$0x90];
	_ =	sdelay $0x4  }
0xd7: {  	v19 =	vmul.f32 v19, v59;
	_ =	sdelay $0x1  }
0xd8: {  	[tilespmem:s21+$0x90] =	vst v19;
	v19 =	vld [tilespmem:s21+$0xA0];
	_ =	sdelay $0x4  }
0xd9: {  	v19 =	vmul.f32 v19, v59;
	_ =	sdelay $0x1  }
0xda: {  	[tilespmem:s21+$0xA0] =	vst v19;
	v19 =	vld [tilespmem:s21+$0xB0];
	_ =	sdelay $0x4  }
0xdb: {  	v19 =	vmul.f32 v19, v59;
	_ =	sdelay $0x1  }
0xdc: {  	[tilespmem:s21+$0xB0] =	vst v19;
	v19 =	vld [tilespmem:s21+$0xC0];
	_ =	sdelay $0x2  }
0xdd: {  	v60 =	vperm.xlane v18, v12;
	_ =	sdelay $0x1  }
0xde: {  	v19 =	vmul.f32 v19, v60;
	_ =	sdelay $0x1  }
0xdf: {  	[tilespmem:s21+$0xC0] =	vst v19;
	v19 =	vld [tilespmem:s21+$0xD0];
	_ =	sdelay $0x4  }
0xe0: {  	v19 =	vmul.f32 v19, v60;
	_ =	sdelay $0x1  }
0xe1: {  	[tilespmem:s21+$0xD0] =	vst v19;
	v19 =	vld [tilespmem:s21+$0xE0];
	_ =	sdelay $0x4  }
0xe2: {  	v19 =	vmul.f32 v19, v60;
	_ =	sdelay $0x1  }
0xe3: {  	[tilespmem:s21+$0xE0] =	vst v19;
	v19 =	vld [tilespmem:s21+$0xF0];
	_ =	sdelay $0x4  }
0xe4: {  	v19 =	vmul.f32 v19, v60;
	_ =	sdelay $0x1  }
0xe5: {  	[tilespmem:s21+$0xF0] =	vst v19;
	v19 =	vld [tilespmem:s21+$0x100];
	_ =	sdelay $0x2  }
0xe6: {  	v61 =	vperm.xlane v18, v13;
	_ =	sdelay $0x1  }
0xe7: {  	v19 =	vmul.f32 v19, v61;
	_ =	sdelay $0x1  }
0xe8: {  	[tilespmem:s21+$0x100] =	vst v19;
	v19 =	vld [tilespmem:s21+$0x110];
	_ =	sdelay $0x4  }
0xe9: {  	v19 =	vmul.f32 v19, v61;
	_ =	sdelay $0x1  }
0xea: {  	[tilespmem:s21+$0x110] =	vst v19;
	v19 =	vld [tilespmem:s21+$0x120];
	_ =	sdelay $0x4  }
0xeb: {  	v19 =	vmul.f32 v19, v61;
	_ =	sdelay $0x1  }
0xec: {  	[tilespmem:s21+$0x120] =	vst v19;
	v19 =	vld [tilespmem:s21+$0x130];
	_ =	sdelay $0x4  }
0xed: {  	v19 =	vmul.f32 v19, v61;
	_ =	sdelay $0x1  }
0xee: {  	[tilespmem:s21+$0x130] =	vst v19;
	v19 =	vld [tilespmem:s21+$0x140];
	_ =	sdelay $0x2  }
0xef: {  	v62 =	vperm.xlane v18, v14;
	_ =	sdelay $0x1  }
0xf0: {  	v19 =	vmul.f32 v19, v62;
	_ =	sdelay $0x1  }
0xf1: {  	[tilespmem:s21+$0x140] =	vst v19;
	v19 =	vld [tilespmem:s21+$0x150];
	_ =	sdelay $0x4  }
0xf2: {  	v19 =	vmul.f32 v19, v62;
	_ =	sdelay $0x1  }
0xf3: {  	[tilespmem:s21+$0x150] =	vst v19;
	v19 =	vld [tilespmem:s21+$0x160];
	_ =	sdelay $0x4  }
0xf4: {  	v19 =	vmul.f32 v19, v62;
	_ =	sdelay $0x1  }
0xf5: {  	[tilespmem:s21+$0x160] =	vst v19;
	v19 =	vld [tilespmem:s21+$0x170];
	_ =	sdelay $0x4  }
0xf6: {  	v19 =	vmul.f32 v19, v62;
	_ =	sdelay $0x1  }
0xf7: {  	[tilespmem:s21+$0x170] =	vst v19;
	v19 =	vld [tilespmem:s21+$0x180];
	_ =	sdelay $0x2  }
0xf8: {  	v63 =	vperm.xlane v18, v15;
	_ =	sdelay $0x1  }
0xf9: {  	v19 =	vmul.f32 v19, v63;
	_ =	sdelay $0x1  }
0xfa: {  	[tilespmem:s21+$0x180] =	vst v19;
	v19 =	vld [tilespmem:s21+$0x190];
	_ =	sdelay $0x4  }
0xfb: {  	v19 =	vmul.f32 v19, v63;
	_ =	sdelay $0x1  }
0xfc: {  	[tilespmem:s21+$0x190] =	vst v19;
	v19 =	vld [tilespmem:s21+$0x1A0];
	_ =	sdelay $0x4  }
0xfd: {  	v19 =	vmul.f32 v19, v63;
	_ =	sdelay $0x1  }
0xfe: {  	[tilespmem:s21+$0x1A0] =	vst v19;
	v19 =	vld [tilespmem:s21+$0x1B0];
	_ =	sdelay $0x4  }
0xff: {  	v19 =	vmul.f32 v19, v63;
	_ =	sdelay $0x1  }
0x100: {  	[tilespmem:s21+$0x1B0] =	vst v19;
	v19 =	vld [tilespmem:s21+$0x1C0];
	_ =	sdelay $0x2  }
0x101: {  	v18 =	vperm.xlane v18, v16;
	_ =	sdelay $0x1  }
0x102: {  	v19 =	vmul.f32 v19, v18;
	_ =	sdelay $0x1  }
0x103: {  	[tilespmem:s21+$0x1C0] =	vst v19;
	v19 =	vld [tilespmem:s21+$0x1D0];
	_ =	sdelay $0x4  }
0x104: {  	v19 =	vmul.f32 v19, v18;
	_ =	sdelay $0x1  }
0x105: {  	[tilespmem:s21+$0x1D0] =	vst v19;
	v19 =	vld [tilespmem:s21+$0x1E0];
	_ =	sdelay $0x4  }
0x106: {  	v19 =	vmul.f32 v19, v18;
	_ =	sdelay $0x1  }
0x107: {  	[tilespmem:s21+$0x1E0] =	vst v19;
	v19 =	vld [tilespmem:s21+$0x1F0];
	_ =	sdelay $0x1  }
0x108: {  	p0 =	sne.s32 s22, $0x1C0  }
.Ltmp2:
0x109: {  	_ = 	snop;
	(pc) =	sbr.rel @p0 .LBB2_8-.Ltmp2, $3  }
0x10a: {  	_ = 	snop  }
0x10b: {  	v18 =	vmul.f32 v19, v18;
	_ =	sdelay $0x1  }
0x10c: {  	s22 =	sadd.s32 $0x40, s22;
	[tilespmem:s21+$0x1F0] =	vst v18;
	s21 =	sadd.s32 $0x400, s21  }
0x10d: {  	s18 =	sadd.s32 $0x1, s18  }
0x10e: {  	p0 =	sne.s32 s18, $0x28  }
.Ltmp3:
0x10f: {  	s20 =	sadd.s32 $0xB400, s20;
	(pc) =	sbr.rel @p0 .LBB2_7-.Ltmp3, $4  }
0x110: {  	[spmem:s2] =	stream.indirect.scatter.add.f32 [tilespmem:s29], [sflag:$0x1], $0x40, s20, s14, $0xb8;
	[tilespmem:$0x1C400] =	vst v63  }
0x111: {  	_ =	swait.ge [sflag:s30], $0x2000  }
0x112: {  	[sflag:s30] =	ssyncset.done $0x0  }
0x113: {  	s19 =	sadd.s32 $0x80, s19;
	[sflag:s30] =	ssyncadd.s32 $0xFFFFE000  }
0x114: {  	s17 =	sadd.s32 $0x1, s17  }
0x115: {  	p0 =	sne.s32 s17, $0x14  }
.Ltmp4:
0x116: {  	_ = 	snop;
	(pc) =	sbr.rel @p0 .LBB2_4-.Ltmp4, $1  }
0x117: {  	_ =	sdelay $0x3  }
0x118: {  	s16 =	stileid.u32;
	[bflag:$0x0] =	sbarrier.arrive $0xFFFF  }
0x119: {  	s16 =	sshll.u32 s16, $0x6;
	s17 =	rddreg [dreg:$0x4]  }
0x11a: {  	s18 =	rddreg [dreg:$0xc];
	s16 =	sor.u32 $0x1C01, s16  }
0x11b: {  	[hbm:s17], [sflag:s16] =	dma.local [spmem:s18], $0x400  }
0x11c: {  	_ =	swait.ge [sflag:s30], $0x400  }
0x11d: {  	[sflag:s30] =	ssyncset.done $0x0;
	s22 =	rddreg [dreg:$0x7]  }
0x11e: {  	s23 =	rddreg [dreg:$0xd];
	[sflag:s30] =	ssyncadd.s32 $0xFFFFFC00  }
0x11f: {  	[hbm:s22], [sflag:s16] =	dma.local [spmem:s23], $0x400  }
0x120: {  	_ =	swait.ge [sflag:s30], $0x400  }
0x121: {  	[sflag:s30] =	ssyncset.done $0x0;
	s19 =	rddreg [dreg:$0x8]  }
0x122: {  	s20 =	rddreg [dreg:$0xe];
	[sflag:s30] =	ssyncadd.s32 $0xFFFFFC00  }
0x123: {  	[hbm:s19], [sflag:s16] =	dma.local [spmem:s20], $0x400  }
0x124: {  	_ =	swait.ge [sflag:s30], $0x400  }
0x125: {  	[sflag:s30] =	ssyncset.done $0x0  }
0x126: {  	s21 =	rddreg [dreg:$0x9];
	[sflag:s30] =	ssyncadd.s32 $0xFFFFFC00  }
0x127: {  	[hbm:s21], [sflag:s16] =	dma.local [spmem:s24], $0x400  }
0x128: {  	_ =	swait.ge [sflag:s30], $0x400  }
0x129: {  	[sflag:s30] =	ssyncset.done $0x0  }
0x12a: {  	s22 =	rddreg [dreg:$0xa];
	[sflag:s30] =	ssyncadd.s32 $0xFFFFFC00  }
0x12b: {  	[hbm:s22], [sflag:s16] =	dma.local [spmem:s25], $0x400  }
0x12c: {  	_ =	swait.ge [sflag:s30], $0x400  }
0x12d: {  	s15 =	sadd.s32 $0x1, s15;
	s23 =	rddreg [dreg:$0x5]  }
0x12e: {  	p0 =	sne.s32 s15, s23  }
.Ltmp5:
0x12f: {  	_ = 	snop;
	(pc) =	sbr.rel @p0 .LBB2_1-.Ltmp5, $3  }
0x130: {  	_ =	sdelay $0x1  }
0x131: {  	[sflag:s30] =	ssyncset.done $0x0  }
0x132: {  	[sflag:s30] =	ssyncadd.s32 $0xFFFFFC00  }
0x133: {  	_ =	sfence.sel $0x180000  }
0x134: {  	[bflag:$0x0] =	sbarrier.arrive $0xFFFF  }
0x135: {  	_ =	strace $0x9000004A  }
0x136: {  	s0 =	stileid.u32;
	[bflag:$0x2] =	sbarrier.arrive $0xFFFF  }
0x137: {  	p0 =	sne.s32 s0, $0x0;
	s0 =	rddreg [dreg:$0x3]  }
0x138: {  	s0 =	sadd.s32 @!p0 $0x100000, s0  }
0x139: {  	[sflag:s0] =	ssyncadd.tile.s32 @!p0 $0x1;
	_ =	shalt  }
.Lfunc_end2:
_tile_overlayer_lowered:
.L_overlay_start_2:
0x13a: {  	(tag) =	ssettag $0x2  }
0x13b: {  	s0 =	rddreg [dreg:$0x0];
	s2 =	stileid.u32  }
0x13c: {  	s1 =	rddreg [dreg:$0x1];
	p0 =	sne.s32 s2, $0x0  }
0x13d: {  	s3 =	rddreg [dreg:$0x2];
	[bflag:$0x3] =	sbarrier.arrive $0xFFFF;
	s2 =	simm.s32 @!p0 $0x1C01  }
0x13e: {  	[timem:s3], [sflag:s2] =	dma.local @!p0 [hbm:s0], s1  }
0x13f: {  	s0 =	simm.s32 @!p0 $0x1  }
0x140: {  	_ =	swait.ge @!p0 [sflag:s0], s1  }
0x141: {  	s1 =	ssub.s32 @!p0 $0x0, s1;
	[sflag:s0] =	ssyncset.done @!p0 $0x0  }
0x142: {  	[sflag:s0] =	ssyncadd.s32 @!p0 s1  }
0x143: {  	[bflag:$0x3] =	sbarrier.arrive $0xFFFF  }
0x144: {  	_ =	shalt  }

// kernel: kernel.7.cloned.1.call-start
scs
__scs_entry_jumppad:
0x0: {  	(pc) =	sbr.rel $0x88, $3  }
0x1: {  	(tag) =	ssettag $0x0;
	lr =	simm.s32 $0x1  }
0x2: {  	[smem:$0x3F8D] =	sst lr;
	_ =	strace $0xD0000000  }
0x3: {  	_ = 	snop  }
0x4: {  	_ = 	snop  }
0x5: {  	_ = 	snop  }
0x6: {  	_ = 	snop  }
0x7: {  	_ = 	snop  }
__scs_overlays_trampoline_lowered:
0x8: {  	[smem:$0x3F9C] =	sst s0  }
0x9: {  	[smem:$0x3F9D] =	sst s1  }
0xa: {  	[smem:$0x3F9E] =	sst s2  }
0xb: {  	[smem:$0x3F9F] =	sst s3  }
0xc: {  	[smem:$0x3FA0] =	sst s4  }
0xd: {  	[smem:$0x3FA1] =	sst s5  }
0xe: {  	[smem:$0x3FA2] =	sst s6  }
0xf: {  	[smem:$0x3FA3] =	sst s7  }
0x10: {  	[smem:$0x3FA4] =	sst s8  }
0x11: {  	[smem:$0x3FA5] =	sst s9;
	s0 =	simm.s32 @!p0 $0x0  }
0x12: {  	s1 =	sld [smem:$0x3F8B];
	s0 =	simm.s32 @p0 $0x1  }
0x13: {  	[smem:$0x3FA6] =	sst s0;
	s0 =	simm.s32 @!p1 $0x0  }
0x14: {  	s2 =	sld [smem:$0x3F8A];
	s0 =	simm.s32 @p1 $0x1  }
0x15: {  	[smem:$0x3FA7] =	sst s0;
	s0 =	simm.s32 @!p2 $0x0  }
0x16: {  	s3 =	sld [smem:$0x3FDB];
	s0 =	simm.s32 @p2 $0x1  }
0x17: {  	s4 =	simm.s32 $0x1BF5;
	[smem:$0x3FA9] =	sst s0  }
0x18: {  	s0 =	sld [smem:$0x3F8C];
	_ =	swait.ge [sflag:s4], $0x0  }
0x19: {  	s7 =	sld [smem:$0x3F8D]  }
0x1a: {  	s8 =	sadd.s32 $0xFFFFE003, lr  }
0x1b: {  	s9 =	sadd.s32 $0xFFFFFEF7, lr;
	s5 =	simm.s32 $0xFFFFFFFF;
	p2 =	slt.u32 s8, $0xFFFFF086  }
0x1c: {  	p1 =	slt.u32 s9, $0xF7A;
	s5 =	simm.s32 @!p2 $0x0  }
0x1d: {  	s5 =	simm.s32 @p1 $0x1;
	p0 =	seq.s32 s7, s2  }
0x1e: {  	s7 =	smul.u32 @!p0 $0xF7A, s2;
	p2 =	seq.s32 @!p0 s5, $0x0  }
0x1f: {  	s9 =	smul.u32 $0xF7A, s1;
	s8 =	simm.s32 @!p0 $0x1BF5;
	p2 =	por !p2, p0  }
0x20: {  	[sflag:s8] =	ssyncset.s32 @!p0 $0xFFFFF086;
	s6 =	sadd.s32 @!p0 s3, s7;
	s7 =	simm.s32 @!p0 $0x108  }
0x21: {  	s3 =	sadd.s32 s3, s9;
	s6 =	sadd.s32 @!p0 $0x88, s6;
	s7 =	simm.s32 @p2 $0x1082  }
0x22: {  	[simem:s7], [sflag:s8] =	dma.local @!p0 [hbm:s6], $0xF7A  }
0x23: {  	s9 =	sor.u32 $0xD0000000, s2;
	s6 =	simm.s32 $0x108;
	_ =	swait.ge @!p0 [sflag:s8], $0x0  }
0x24: {  	s3 =	sadd.s32 $0x88, s3;
	s6 =	simm.s32 @!p1 $0x1082;
	[sflag:s4] =	ssyncset.s32 $0xFFFFF086  }
0x25: {  	[simem:s6], [sflag:s4] =	dma.local [hbm:s3], $0xF7A  }
0x26: {  	[smem:$0x3F8D] =	sst s1;
	(tag) =	ssettag s2;
	_ =	strace s9  }
0x27: {  	s1 =	sld [smem:$0x3F9D]  }
0x28: {  	s2 =	sld [smem:$0x3F9E]  }
0x29: {  	s4 =	sld [smem:$0x3FA0]  }
0x2a: {  	p0 =	seq.s32 s5, $0x0;
	s5 =	sld [smem:$0x3FA1]  }
0x2b: {  	s6 =	sld [smem:$0x3FA2]  }
0x2c: {  	s7 =	sld [smem:$0x3FA3]  }
0x2d: {  	s3 =	simm.s32 $0x108;
	s8 =	sld [smem:$0x3FA4]  }
0x2e: {  	s3 =	simm.s32 @!p0 $0x1082;
	s9 =	sld [smem:$0x3FA5]  }
0x2f: {  	lr =	sadd.s32 s0, s3;
	s0 =	sld [smem:$0x3F9C]  }
0x30: {  	s3 =	sld [smem:$0x3F9F]  }
0x31: {  	[smem:$0x3FA8] =	sst s10  }
0x32: {  	s10 =	sld [smem:$0x3FA6];
	_ =	sdelay $0x3  }
0x33: {  	p0 =	seq.s32 s10, $0x1;
	s10 =	sld [smem:$0x3FA8];
	_ =	sdelay $0x3  }
0x34: {  	[smem:$0x3FA8] =	sst s10  }
0x35: {  	s10 =	sld [smem:$0x3FA7];
	_ =	sdelay $0x3  }
0x36: {  	p1 =	seq.s32 s10, $0x1;
	s10 =	sld [smem:$0x3FA8];
	_ =	sdelay $0x3  }
0x37: {  	[smem:$0x3FA8] =	sst s10  }
0x38: {  	s10 =	sld [smem:$0x3FA9]  }
0x39: {  	_ = 	snop;
	(pc) =	sbr.ind lr, $3  }
0x3a: {  	_ = 	snop  }
0x3b: {  	_ = 	snop  }
0x3c: {  	p2 =	seq.s32 s10, $0x1;
	s10 =	sld [smem:$0x3FA8]  }
0x3d: {  	_ =	shalt  }
0x3e: {  	_ =	shalt  }
0x3f: {  	_ =	shalt  }
0x40: {  	_ =	shalt  }
0x41: {  	_ =	shalt  }
0x42: {  	_ =	shalt  }
0x43: {  	_ =	shalt  }
0x44: {  	_ =	shalt  }
0x45: {  	_ =	shalt  }
0x46: {  	_ =	shalt  }
0x47: {  	_ =	shalt  }
0x48: {  	_ =	shalt  }
0x49: {  	_ =	shalt  }
0x4a: {  	_ =	shalt  }
0x4b: {  	_ =	shalt  }
0x4c: {  	_ =	shalt  }
0x4d: {  	_ =	shalt  }
0x4e: {  	_ =	shalt  }
0x4f: {  	_ =	shalt  }
0x50: {  	_ =	shalt  }
0x51: {  	_ =	shalt  }
0x52: {  	_ =	shalt  }
0x53: {  	_ =	shalt  }
0x54: {  	_ =	shalt  }
0x55: {  	_ =	shalt  }
0x56: {  	_ =	shalt  }
0x57: {  	_ =	shalt  }
0x58: {  	_ =	shalt  }
0x59: {  	_ =	shalt  }
0x5a: {  	_ =	shalt  }
0x5b: {  	_ =	shalt  }
0x5c: {  	_ =	shalt  }
0x5d: {  	_ =	shalt  }
0x5e: {  	_ =	shalt  }
0x5f: {  	_ =	shalt  }
0x60: {  	_ =	shalt  }
0x61: {  	_ =	shalt  }
0x62: {  	_ =	shalt  }
0x63: {  	_ =	shalt  }
0x64: {  	_ =	shalt  }
0x65: {  	_ =	shalt  }
0x66: {  	_ =	shalt  }
0x67: {  	_ =	shalt  }
0x68: {  	_ =	shalt  }
0x69: {  	_ =	shalt  }
0x6a: {  	_ =	shalt  }
0x6b: {  	_ =	shalt  }
0x6c: {  	_ =	shalt  }
0x6d: {  	_ =	shalt  }
0x6e: {  	_ =	shalt  }
0x6f: {  	_ =	shalt  }
0x70: {  	_ =	shalt  }
0x71: {  	_ =	shalt  }
0x72: {  	_ =	shalt  }
0x73: {  	_ =	shalt  }
0x74: {  	_ =	shalt  }
0x75: {  	_ =	shalt  }
0x76: {  	_ =	shalt  }
0x77: {  	_ =	shalt  }
0x78: {  	_ =	shalt  }
0x79: {  	_ =	shalt  }
0x7a: {  	_ =	shalt  }
0x7b: {  	_ =	shalt  }
0x7c: {  	_ =	shalt  }
0x7d: {  	_ =	shalt  }
0x7e: {  	_ =	shalt  }
0x7f: {  	_ =	shalt  }
0x80: {  	_ =	shalt  }
0x81: {  	_ =	shalt  }
0x82: {  	_ =	shalt  }
0x83: {  	_ =	shalt  }
0x84: {  	_ =	shalt  }
0x85: {  	_ =	shalt  }
0x86: {  	_ =	shalt  }
0x87: {  	_ =	shalt  }
.Lfunc_end0:
.L_simem_size_0:
called_computation_lowered:
.L_overlay_start_0:
0x88: {  	s2 =	sld [smem:$0x3FD9]  }
0x89: {  	s3 =	sld [smem:$0x3FFE];
	_ =	sdelay $0x1  }
0x8a: {  	s1 =	srdreg.scid  }
0x8b: {  	s0 =	sand.u32 $0x1, s1  }
0x8c: {  	s17 =	sshll.u32 s0, $0xA;
	s2 =	sadd.s32 s3, s2  }
0x8d: {  	s2 =	sadd.s32 s2, s17  }
0x8e: {  	[smem:$0x3FB4] =	sst s2  }
0x8f: {  	_ = 	snop  }
0x90: {  	s2 =	sld [smem:$0x3FD0];
	(tm) =	ssettm $0x1  }
0x91: {  	s18 =	sld [smem:$0x3FFB];
	_ =	sdelay $0x3  }
0x92: {  	_ =	strace s18  }
0x93: {  	s3 =	sld [smem:$0x3FFC];
	_ =	sdelay $0x3  }
0x94: {  	_ =	strace s3  }
0x95: {  	s3 =	sld [smem:$0x3FFD];
	_ =	sdelay $0x3  }
0x96: {  	_ =	strace s3  }
0x97: {  	_ =	strace $0x8FFFFFFF  }
0x98: {  	s19 =	sld [smem:$0x3FDB];
	_ =	sdelay $0x1  }
0x99: {  	s4 =	simm.s32 $_scs_section_size  }
0x9a: {  	s5 =	simm.s32 $_size__tile_overlayer_lowered;
	s6 =	simm.s32 $_tile_overlayer_lowered  }
0x9b: {  	s22 =	simm.s32 $0x1BFF;
	s21 =	sshll.u32 s6, $0x1;
	s3 =	sadd.s32 s4, s19  }
0x9c: {  	s7 =	simm.s32 $0x0;
	s20 =	sshll.u32 s5, $0x1;
	s5 =	sadd.s32 s21, s3  }
0x9d: {  	[timem:s7], [sflag:s22] =	dma.local [hbm:s5], s20  }
0x9e: {  	_ =	swait.ge [sflag:s22], s20  }
0x9f: {  	s4 =	ssub.s32 $0x0, s20;
	[sflag:s22] =	ssyncset.done $0x0  }
0xa0: {  	[sflag:s22] =	ssyncadd.s32 s4;
	_ =	sdelay $0x1  }
0xa1: {  	s23 =	simm.s32 $0x1B8B  }
0xa2: {  	_ =	swait.ge [sflag:s23], $0x1  }
0xa3: {  	[sflag:s23] =	ssyncset.done $0x0  }
0xa4: {  	s25 =	simm.s32 $0x1B8E;
	s24 =	sld [smem:$0x3FFE];
	[sflag:s23] =	ssyncadd.s32 $0xFFFFFFFF  }
0xa5: {  	s26 =	simm.s32 $execute0_lowered;
	[smem:$0x3FD2] =	sst s25  }
0xa6: {  	s5 =	sshll.u32 s26, $0x1;
	_ =	strace $0x80000046;
	[dreg:$0x1] =	wrdreg $0xFFFFFFFF  }
0xa7: {  	s28 =	simm.s32 $_size_execute0_lowered;
	s3 =	sadd.s32 s3, s5;
	[dreg:$0x0] =	wrdreg $0x0  }
0xa8: {  	s5 =	sshll.u32 s28, $0x1;
	[dreg:$0x2] =	wrdreg s3  }
0xa9: {  	[dreg:$0x3] =	wrdreg s5  }
0xaa: {  	[dreg:$0x4] =	wrdreg $0xC0  }
0xab: {  	_ =	task [dreg:s7], $0x5FFFF  }
0xac: {  	[dreg:$0x1] =	wrdreg $0xFFFFFFFF  }
0xad: {  	[dreg:$0x0] =	wrdreg $0x60  }
0xae: {  	[dreg:$0x2] =	wrdreg s2  }
0xaf: {  	[dreg:$0x3] =	wrdreg s24  }
0xb0: {  	[dreg:$0x4] =	wrdreg $0x1F800  }
0xb1: {  	[dreg:$0x5] =	wrdreg $0x9  }
0xb2: {  	_ =	task.clear_ibuf [dreg:s7], $0x6FFFF;
	_ =	strace $0x90000046  }
0xb3: {  	s29 =	simm.s32 $0x9;
	_ =	strace $0x80000048  }
0xb4: {  	_ =	swait.ge [sflag:s29], $0x1  }
0xb5: {  	[sflag:s29] =	ssyncadd.s32 $0xFFFFFFFF  }
0xb6: {  	_ =	strace $0x90000048  }
0xb7: {  	_ =	sfence  }
0xb8: {  	s30 =	sld [smem:$0x0];
	_ =	sdelay $0x2  }
0xb9: {  	s31 =	sshll.u32 s1, $0xD;
	s1 =	sshrl.u32 s1, $0x2  }
0xba: {  	s3 =	sand.u32 $0x4000, s31;
	s1 =	sadd.s32 s1, s30  }
0xbb: {  	s0 =	sor.u32 s3, s0;
	s1 =	sshll.u32 s1, $0x11  }
0xbc: {  	s0 =	sor.u32 s1, s0  }
0xbd: {  	s0 =	sadd.s32 $0x8F2B, s0  }
0xbe: {  	[sflag:s0] =	ssyncadd.remote.s32 $0x1  }
0xbf: {  	_ =	sfence.sel $0xFFFF  }
0xc0: {  	[dreg:$0x0] =	wrdreg $0xFFFFFFFF;
	(pc) =	sbr.abs _section_cstart, $3  }
0xc1: {  	[dreg:$0x1] =	wrdreg $0xFFFFFFFF  }
0xc2: {  	_ =	task.clear_ibuf [dreg:s7], $0x2FFFF;
	_ =	strace $0x9FFFFFFF  }
0xc3: {  	(tm) =	ssettm $0x7FFFFFFF  }
tec
execute0_lowered:
.L_overlay_start_1:
0x0: {  	(tag) =	ssettag $0x1  }
0x1: {  	s1 =	rddreg [dreg:$0x0]  }
0x2: {  	s6 =	rddreg [dreg:$0x1];
	s2 =	srdreg.scid  }
0x3: {  	s0 =	stileid.u32;
	s3 =	rddreg [dreg:$0x2];
	s4 =	simm.s32 $0x0  }
0x4: {  	s11 =	simm.s32 $0x1;
	s12 =	simm.s32 $0xC00;
	s13 =	simm.s32 $0x80  }
0x5: {  	s16 =	simm.s32 $0x20;
	s7 =	sand.u32 $0x1, s2;
	s2 =	rddreg [dreg:$0x3]  }
0x6: {  	s17 =	simm.s32 $0x10;
	s5 =	smul.u32 $0xF00, s0;
	[smem:$0x7FF] =	sst s4  }
0x7: {  	s9 =	smul.u32 $0x1E00, s0;
	s14 =	sshll.u32 s0, $0x6;
	s8 =	sshll.u32 s7, $0x7  }
0x8: {  	_ =	strace $0x80000047;
	s31 =	ssub.s32 $0x2, s7;
	s7 =	sshll.u32 s7, $0x4  }
0x9: {  	s14 =	sor.u32 $0x1C01, s14;
	s5 =	sor.u32 s8, s5;
	s10 =	sshrl.u32 s31, $0x1  }
0xa: {  	s9 =	sshrl.u32 s9, $0x2;
	s7 =	sor.u32 s0, s7;
	s8 =	sshrl.u32 s5, $0x3  }
0xb: {  	s5 =	sadd.s32 $0x37200, s6;
	s10 =	ssub.s32 s31, s10;
	s7 =	smul.u32 $0xF0, s7  }
0xc: {  	s8 =	sadd.s32 s8, s6;
	s6 =	sadd.s32 s9, s3;
	s9 =	smax.u32 s10, $0x1  }
0xd: {  	v0 =	vimm.f32 $0.0e+00;
	s10 =	simm.s32 $0x1800;
	s8 =	sadd.s32 $0x55200, s8;
	s15 =	sshrl.u32 s6, $0x3  }
.LBB2_1:
0xe: {  	s18 =	simm.s32 $0x40;
	s19 =	simm.s32 $0x0  }
.LBB2_2:
0xf: {  	p0 =	sne.s32 s18, $0x1DC0;
	[tilespmem:s19+$0x1800] =	vst v0;
	s19 =	smov.u32 s18;
	s18 =	sadd.s32 $0x40, s18  }
.Ltmp0:
0x10: {  	(pc) =	sbr.rel @p0 .LBB2_2-.Ltmp0, $2  }
0x11: {  	_ =	sdelay $0x2  }
0x12: {  	s19 =	sshra.s32 s19, $0x2  }
0x13: {  	[tilespmem:s19+$0x1800] =	vst v0  }
0x14: {  	[spmem:s6] =	stream.linear.scatter [tilespmem:s10], [sflag:$0x1], $0x780, $0x38;
	[tilespmem:$0x2700] =	vst v63  }
0x15: {  	_ =	swait.ge [sflag:s11], $0x780  }
0x16: {  	[sflag:s11] =	ssyncset.done $0x0  }
0x17: {  	[sflag:s11] =	ssyncadd.s32 $0xFFFFF880  }
0x18: {  	s18 =	simm.s32 $0x0;
	s19 =	simm.s32 $0x0;
	[bflag:$0x0] =	sbarrier.arrive $0xFFFF  }
.LBB2_4:
0x19: {  	s20 =	smul.u32 $0x18, s19;
	_ =	sdelay $0x1  }
0x1a: {  	s20 =	sadd.s32 s7, s20  }
0x1b: {  	s20 =	sshll.u32 s20, $0x4  }
0x1c: {  	s21 =	sadd.s32 s1, s20  }
0x1d: {  	[tilespmem:s18], [sflag:$0x1] =	stream.linear.gather [hbm4b:s21+s18], $0xC00, $0x38;
	[tilespmem:$0x2700] =	vst v63  }
0x1e: {  	_ =	swait.ge [sflag:s11], $0xC00  }
0x1f: {  	[sflag:s11] =	ssyncset.done $0x0  }
0x20: {  	s20 =	sadd.s32 s5, s20;
	[sflag:s11] =	ssyncadd.s32 $0xFFFFF400  }
0x21: {  	[tilespmem:s12], [sflag:$0x1] =	stream.linear.gather [hbm4b:s20+s18], $0xC00, $0x38;
	[tilespmem:$0x2700] =	vst v63  }
0x22: {  	_ =	swait.ge [sflag:s11], $0xC00  }
0x23: {  	[sflag:s11] =	ssyncset.done $0x0  }
0x24: {  	s30 =	simm.s32 $0x0;
	s31 =	simm.s32 $0xC00;
	[sflag:s11] =	ssyncadd.s32 $0xFFFFF400  }
0x25: {  	[spmem:s3] =	stream.indirect.scatter.add.f32 [tilespmem:s31], [sflag:$0x1], $0x1, s30, s13, $0xb8;
	[tilespmem:$0x2700] =	vst v63  }
0x26: {  	s20 =	simm.s32 $0x200;
	_ =	swait.ge [sflag:s11], $0x80  }
.LBB2_5:
0x27: {  	s21 =	sshra.s32 s20, $0x2;
	[sflag:s11] =	ssyncset.done $0x0;
	p0 =	sne.s32 s20, $0x2E00  }
.Ltmp1:
0x28: {  	s22 =	sadd.s32 $0xC00, s21;
	[sflag:s11] =	ssyncadd.s32 $0xFFFFFF80;
	(pc) =	sbr.rel @p0 .LBB2_5-.Ltmp1, $3  }
0x29: {  	[spmem:s3] =	stream.indirect.scatter.add.f32 [tilespmem:s22], [sflag:$0x1], $0x1, s21, s13, $0xb8;
	[tilespmem:$0x2700] =	vst v63  }
0x2a: {  	s20 =	sadd.s32 $0x200, s20;
	_ =	sdelay $0x1  }
0x2b: {  	_ =	swait.ge [sflag:s11], $0x80  }
0x2c: {  	s19 =	sadd.s32 $0x1, s19  }
0x2d: {  	p0 =	sne.s32 s19, $0xA  }
.Ltmp2:
0x2e: {  	_ = 	snop;
	(pc) =	sbr.rel @p0 .LBB2_4-.Ltmp2, $3  }
0x2f: {  	_ =	sdelay $0x1  }
0x30: {  	[sflag:s11] =	ssyncset.done $0x0  }
0x31: {  	[sflag:s11] =	ssyncadd.s32 $0xFFFFFF80  }
0x32: {  	s4 =	sadd.s32 $0x1, s4  }
0x33: {  	p0 =	sne.s32 s4, s9  }
.Ltmp3:
0x34: {  	[bflag:$0x0] =	sbarrier.arrive $0xFFFF;
	(pc) =	sbr.rel @p0 .LBB2_1-.Ltmp3, $4  }
0x35: {  	[hbm:s8@s16], [sflag:s14] =	dma.strided [spmem:s15@s17], $0xF0, s11, $0x10   }
0x36: {  	_ =	swait.ge [sflag:s11], $0xF0  }
0x37: {  	[sflag:s11] =	ssyncset.done $0x0  }
0x38: {  	[sflag:s11] =	ssyncadd.s32 $0xFFFFFF10  }
0x39: {  	_ =	sfence.sel $0x180000  }
0x3a: {  	[bflag:$0x0] =	sbarrier.arrive $0xFFFF  }
0x3b: {  	p0 =	sne.s32 s0, $0x0;
	_ =	strace $0x90000047  }
0x3c: {  	s0 =	sadd.s32 @!p0 $0x100000, s2;
	[bflag:$0x2] =	sbarrier.arrive $0xFFFF  }
0x3d: {  	[sflag:s0] =	ssyncadd.tile.s32 @!p0 $0x1;
	_ =	shalt  }
.Lfunc_end2:
_tile_overlayer_lowered:
.L_overlay_start_2:
0x3e: {  	(tag) =	ssettag $0x2  }
0x3f: {  	s0 =	rddreg [dreg:$0x0];
	s2 =	stileid.u32  }
0x40: {  	s1 =	rddreg [dreg:$0x1];
	p0 =	sne.s32 s2, $0x0  }
0x41: {  	s3 =	rddreg [dreg:$0x2];
	[bflag:$0x3] =	sbarrier.arrive $0xFFFF;
	s2 =	simm.s32 @!p0 $0x1C01  }
0x42: {  	[timem:s3], [sflag:s2] =	dma.local @!p0 [hbm:s0], s1  }
0x43: {  	s0 =	simm.s32 @!p0 $0x1  }
0x44: {  	_ =	swait.ge @!p0 [sflag:s0], s1  }
0x45: {  	s1 =	ssub.s32 @!p0 $0x0, s1;
	[sflag:s0] =	ssyncset.done @!p0 $0x0  }
0x46: {  	[sflag:s0] =	ssyncadd.s32 @!p0 s1  }
0x47: {  	[bflag:$0x3] =	sbarrier.arrive $0xFFFF  }
0x48: {  	_ =	shalt  }

</sc_bundles>
